<compile_context>
chip_gen: v7x
topology: tpu7x:2x2x1
jax: 0.10.2.dev20260603
libtpu: 0.0.44.dev20260713+nightly
codegen_flags: <defaults>
</compile_context>

<pallas_src>
import functools

import jax
import jax.numpy as jnp
from jax import lax
from jax.experimental import pallas as pl
from jax.experimental.pallas import tpu as pltpu
from jax.experimental.pallas import tpu_sc as plsc

NC = 2
NS = 16
NW = NC * NS
LANE = 128


def _deg_kernel(nb, n_acc, rpt):
    mesh = plsc.VectorSubcoreMesh(core_axis_name="c", subcore_axis_name="s")

    @functools.partial(
        pl.kernel,
        mesh=mesh,
        out_type=jax.ShapeDtypeStruct((NC * n_acc,), jnp.float32),
        scratch_types=[
            pltpu.VMEM_SHARED((n_acc,), jnp.float32),
            pltpu.VMEM((nb, LANE), jnp.int32),
            pltpu.VMEM((LANE,), jnp.float32),
            pltpu.VMEM((rpt,), jnp.float32),
        ],
    )
    def deg_k(dst_hbm, zeros_hbm, ones_hbm, out_hbm, acc, dstv, ones, zbuf):
        c = lax.axis_index("c")
        s = lax.axis_index("s")
        wid = c * NS + s
        pltpu.sync_copy(zeros_hbm, zbuf)
        pltpu.sync_copy(zbuf, acc.at[pl.ds(s * rpt, rpt)])
        pltpu.sync_copy(ones_hbm, ones)
        pltpu.sync_copy(dst_hbm.at[pl.ds(wid * nb, nb)], dstv)
        plsc.subcore_barrier()

        @pl.loop(0, nb)
        def _(j):
            pltpu.sync_copy(ones, acc.at[dstv.at[j]], add=True)

        plsc.subcore_barrier()
        pltpu.sync_copy(acc.at[pl.ds(s * rpt, rpt)], zbuf)
        pltpu.sync_copy(zbuf, out_hbm.at[pl.ds(c * n_acc + s * rpt, rpt)])

    return deg_k


def _scatter_kernel(nb, n_acc, rpt, d):
    mesh = plsc.VectorSubcoreMesh(core_axis_name="c", subcore_axis_name="s")

    @functools.partial(
        pl.kernel,
        mesh=mesh,
        out_type=jax.ShapeDtypeStruct((NC, n_acc, d), jnp.float32),
        scratch_types=[
            pltpu.VMEM_SHARED((n_acc, d), jnp.float32),
            pltpu.VMEM((nb, LANE), jnp.int32),
            pltpu.VMEM((nb, LANE), jnp.int32),
            pltpu.VMEM((LANE, d), jnp.float32),
            pltpu.SemaphoreType.DMA,
        ],
    )
    def scat_k(y_hbm, src_hbm, dst_hbm, zeros_hbm, out_hbm,
               acc, srcv, dstv, buf, sem):
        c = lax.axis_index("c")
        s = lax.axis_index("s")
        wid = c * NS + s
        pltpu.sync_copy(zeros_hbm, buf)
        for k in range(rpt // LANE):
            pltpu.sync_copy(buf, acc.at[pl.ds(s * rpt + k * LANE, LANE)])
        pltpu.sync_copy(src_hbm.at[pl.ds(wid * nb, nb)], srcv)
        pltpu.sync_copy(dst_hbm.at[pl.ds(wid * nb, nb)], dstv)
        plsc.subcore_barrier()

        @pl.loop(0, nb)
        def _(j):
            pltpu.async_copy(y_hbm.at[srcv.at[j]], buf, sem).wait()
            pltpu.sync_copy(buf, acc.at[dstv.at[j]], add=True)

        plsc.subcore_barrier()
        for k in range(rpt // LANE):
            pltpu.sync_copy(acc.at[pl.ds(s * rpt + k * LANE, LANE)], buf)
            pltpu.sync_copy(buf, out_hbm.at[c, pl.ds(s * rpt + k * LANE, LANE)])

    return scat_k


def _mm_body(x_ref, w_ref, deg_ref, y_ref, dinv_ref):
    xw = jnp.dot(x_ref[...], w_ref[...], preferred_element_type=jnp.float32)
    deg = deg_ref[0] + deg_ref[1] + 1.0
    dinv = lax.rsqrt(deg)
    y_ref[...] = xw * dinv
    dinv_ref[...] = dinv


def _final_body(p_ref, y_ref, dinv_ref, x_ref, b_ref, g_ref, be_ref, o_ref):
    agg = (p_ref[0] + p_ref[1] + y_ref[...]) * dinv_ref[...] + b_ref[...]
    mu = jnp.mean(agg, axis=-1, keepdims=True)
    var = jnp.mean((agg - mu) ** 2, axis=-1, keepdims=True)
    h = (agg - mu) * lax.rsqrt(var + 1e-5) * g_ref[...] + be_ref[...]
    h = jnp.where(h >= 0, h, 0.01 * h)
    o_ref[...] = h + x_ref[...]


def kernel(x, edge_index, W, b, gamma, beta):
    n, d = x.shape
    e = edge_index.shape[1]
    nb = (-(-e // (NW * LANE)) + 7) // 8 * 8
    e_pad = NW * nb * LANE
    rpt = (-(-n // NS) + LANE - 1) // LANE * LANE
    n_acc = rpt * NS

    src = edge_index[0]
    dst = edge_index[1]
    pad = e_pad - e
    src_p = jnp.concatenate(
        [src, jnp.zeros((pad,), jnp.int32)]).reshape(NW * nb, LANE)
    dst_p = jnp.concatenate(
        [dst, jnp.full((pad,), n_acc - 1, jnp.int32)]).reshape(NW * nb, LANE)

    zeros1 = jnp.zeros((rpt,), jnp.float32)
    ones1 = jnp.ones((LANE,), jnp.float32)
    zeros2 = jnp.zeros((LANE, d), jnp.float32)

    degp = _deg_kernel(nb, n_acc, rpt)(dst_p, zeros1, ones1)
    deg3 = degp.reshape(NC, n_acc, 1)

    B = 512
    G = -(-n // B)
    y, dinv = pl.pallas_call(
        _mm_body,
        grid=(G,),
        in_specs=[
            pl.BlockSpec((B, d), lambda i: (i, 0)),
            pl.BlockSpec((d, d), lambda i: (0, 0)),
            pl.BlockSpec((NC, B, 1), lambda i: (0, i, 0)),
        ],
        out_specs=[
            pl.BlockSpec((B, d), lambda i: (i, 0)),
            pl.BlockSpec((B, 1), lambda i: (i, 0)),
        ],
        out_shape=[
            jax.ShapeDtypeStruct((n, d), jnp.float32),
            jax.ShapeDtypeStruct((n, 1), jnp.float32),
        ],
    )(x, W, deg3)

    partials = _scatter_kernel(nb, n_acc, rpt, d)(y, src_p, dst_p, zeros2)
    part = partials[:, :n, :]

    out = pl.pallas_call(
        _final_body,
        grid=(G,),
        in_specs=[
            pl.BlockSpec((NC, B, d), lambda i: (0, i, 0)),
            pl.BlockSpec((B, d), lambda i: (i, 0)),
            pl.BlockSpec((B, 1), lambda i: (i, 0)),
            pl.BlockSpec((B, d), lambda i: (i, 0)),
            pl.BlockSpec((1, d), lambda i: (0, 0)),
            pl.BlockSpec((1, d), lambda i: (0, 0)),
            pl.BlockSpec((1, d), lambda i: (0, 0)),
        ],
        out_specs=pl.BlockSpec((B, d), lambda i: (i, 0)),
        out_shape=jax.ShapeDtypeStruct((n, d), jnp.float32),
    )(part, y, dinv, x,
      b.reshape(1, d), gamma.reshape(1, d), beta.reshape(1, d))
    return out

# --- scband reference (transcript-rebuilt; emitter-appended) ---
"""Pipeline reference for scband-gcnblock-41188736368774 (READ-ONLY COPY).

The authoritative reference and input builder live on the scoring server;
editing this copy changes nothing except your own understanding.
"""

import jax, jax.numpy as jnp
import numpy as np

N = 10000
E = 320000
D = 128

def setup_inputs(seed: int = 0) -> dict:
    key = jax.random.key(seed)
    k1, k2, k3 = jax.random.split(key, 3)
    x = jax.random.normal(k1, (N, D), dtype=jnp.float32)
    edge_index = jax.random.randint(k2, (2, E), 0, N, dtype=jnp.int32)
    # GCNConv linear weight (applied as x @ W), bias added post-aggregation (PyG semantics)
    W = jax.random.normal(k3, (D, D), dtype=jnp.float32) * (1.0 / np.sqrt(D))
    b = jnp.zeros((D,), dtype=jnp.float32)
    # LayerNorm params
    gamma = jnp.ones((D,), dtype=jnp.float32)
    beta = jnp.zeros((D,), dtype=jnp.float32)
    return {"x": x, "edge_index": edge_index, "W": W, "b": b, "gamma": gamma, "beta": beta}

def reference(x, edge_index, W, b, gamma, beta):
    n = x.shape[0]
    src = edge_index[0]
    dst = edge_index[1]
    # add self loops
    loop = jnp.arange(n, dtype=src.dtype)
    src = jnp.concatenate([src, loop])
    dst = jnp.concatenate([dst, loop])
    # symmetric normalization: deg computed on destination nodes
    deg = jnp.zeros((n,), dtype=x.dtype).at[dst].add(1.0)
    dinv = jnp.where(deg > 0, jax.lax.rsqrt(deg), 0.0)
    norm = dinv[src] * dinv[dst]
    # GCNConv: linear transform, then normalized scatter-add aggregation, then bias
    xw = x @ W
    msg = jnp.take(xw, src, axis=0) * norm[:, None]
    agg = jnp.zeros_like(xw).at[dst].add(msg) + b
    # LayerNorm
    mu = jnp.mean(agg, axis=-1, keepdims=True)
    var = jnp.mean((agg - mu) ** 2, axis=-1, keepdims=True)
    h = (agg - mu) / jnp.sqrt(var + 1e-5) * gamma + beta
    # LeakyReLU (default negative_slope=0.01)
    h = jnp.where(h >= 0, h, 0.01 * h)
    # dropout is identity in eval/reference mode; shortcut is Identity (in==out)
    return h + x

if __name__ == "__main__":
    import jax
    _d = setup_inputs()
    print(jax.jit(kernel)(*tuple(_d.values())))

</pallas_src>

<mosaic_0001>
#map = affine_map<(d0, d1) -> (0, 0)>
#map1 = affine_map<(d0, d1) -> (0, 0, 0)>
module attributes {stable_mosaic.version = 14 : i64} {
  func.func @scat_k(%arg0: i32, %arg1: i32, %arg2: memref<10000x128xf32, #tpu.memory_space<hbm>>, %arg3: memref<2560x128xi32, #tpu.memory_space<hbm>>, %arg4: memref<2560x128xi32, #tpu.memory_space<hbm>>, %arg5: memref<128x128xf32, #tpu.memory_space<hbm>>, %arg6: memref<2x10240x128xf32, #tpu.memory_space<hbm>>, %arg7: memref<10240x128xf32, #tpu.memory_space<vmem_shared>>, %arg8: memref<80x128xi32, #tpu.memory_space<vmem>>, %arg9: memref<80x128xi32, #tpu.memory_space<vmem>>, %arg10: memref<128x128xf32, #tpu.memory_space<vmem>>, %arg11: memref<!tpu.dma_semaphore, #tpu.memory_space<semaphore_mem>>) attributes {dimension_semantics = [#tpu.dimension_semantics<core_parallel>, #tpu.dimension_semantics<subcore_parallel>], iteration_bounds = array<i64: 2, 16>, scalar_prefetch = 0 : i64, scratch_operands = 5 : i64, tpu.core_type = #tpu.core_type<sc_vector_subcore>, window_params = [{transform_indices = #map}, {transform_indices = #map}, {transform_indices = #map}, {transform_indices = #map}, {transform_indices = #map1}]} {
    %mul3A = arith.constant 16 : i32
    %mul3A_0 = arith.muli %arg0, %mul3A : i32
    %add3A = arith.addi %mul3A_0, %arg1 : i32
    "tpu.region"() ({
      %run_scoped3A = tpu.sem_alloc : memref<!tpu.dma_semaphore, #tpu.memory_space<semaphore_mem>>
      tpu.enqueue_dma source(%arg5 : memref<128x128xf32, #tpu.memory_space<hbm>>) target(%arg10 : memref<128x128xf32, #tpu.memory_space<vmem>>) target_semaphore(%run_scoped3A : memref<!tpu.dma_semaphore, #tpu.memory_space<semaphore_mem>>)
      tpu.wait_dma2 semaphore(%run_scoped3A : memref<!tpu.dma_semaphore, #tpu.memory_space<semaphore_mem>>) src(%arg5 : memref<128x128xf32, #tpu.memory_space<hbm>>) dst(%arg10 : memref<128x128xf32, #tpu.memory_space<vmem>>)
      tpu.yield
    }) : () -> ()
    %mul3A_1 = arith.constant 640 : i32
    %mul3A_2 = arith.muli %arg1, %mul3A_1 : i32
    %add3A_3 = arith.constant 0 : i32
    %add3A_4 = arith.addi %mul3A_2, %add3A_3 : i32
    "tpu.region"() ({
      %run_scoped3A = tpu.sem_alloc : memref<!tpu.dma_semaphore, #tpu.memory_space<semaphore_mem>>
      %dma_start3A = arith.constant 0 : i32
      %dma_start3A_70 = tpu.memref_slice %arg7[%add3A_4, %dma_start3A] : memref<10240x128xf32, #tpu.memory_space<vmem_shared>> -> memref<128x128xf32, #tpu.memory_space<vmem_shared>>
      %dma_start3A_71 = arith.constant 0 : i32
      %dma_start3A_72 = tpu.memref_slice %arg7[%add3A_4, %dma_start3A_71] : memref<10240x128xf32, #tpu.memory_space<vmem_shared>> -> memref<128x128xf32, #tpu.memory_space<vmem_shared>>
      tpu.enqueue_dma source(%arg10 : memref<128x128xf32, #tpu.memory_space<vmem>>) target(%dma_start3A_72 : memref<128x128xf32, #tpu.memory_space<vmem_shared>>) target_semaphore(%run_scoped3A : memref<!tpu.dma_semaphore, #tpu.memory_space<semaphore_mem>>)
      %dma_wait3A = arith.constant 0 : i32
      %dma_wait3A_73 = tpu.memref_slice %arg7[%add3A_4, %dma_wait3A] : memref<10240x128xf32, #tpu.memory_space<vmem_shared>> -> memref<128x128xf32, #tpu.memory_space<vmem_shared>>
      %dma_wait3A_74 = arith.constant 0 : i32
      %dma_wait3A_75 = tpu.memref_slice %arg7[%add3A_4, %dma_wait3A_74] : memref<10240x128xf32, #tpu.memory_space<vmem_shared>> -> memref<128x128xf32, #tpu.memory_space<vmem_shared>>
      tpu.wait_dma2 semaphore(%run_scoped3A : memref<!tpu.dma_semaphore, #tpu.memory_space<semaphore_mem>>) src(%arg10 : memref<128x128xf32, #tpu.memory_space<vmem>>) dst(%dma_wait3A_75 : memref<128x128xf32, #tpu.memory_space<vmem_shared>>)
      tpu.yield
    }) : () -> ()
    %mul3A_5 = arith.constant 640 : i32
    %mul3A_6 = arith.muli %arg1, %mul3A_5 : i32
    %add3A_7 = arith.constant 128 : i32
    %add3A_8 = arith.addi %mul3A_6, %add3A_7 : i32
    "tpu.region"() ({
      %run_scoped3A = tpu.sem_alloc : memref<!tpu.dma_semaphore, #tpu.memory_space<semaphore_mem>>
      %dma_start3A = arith.constant 0 : i32
      %dma_start3A_70 = tpu.memref_slice %arg7[%add3A_8, %dma_start3A] : memref<10240x128xf32, #tpu.memory_space<vmem_shared>> -> memref<128x128xf32, #tpu.memory_space<vmem_shared>>
      %dma_start3A_71 = arith.constant 0 : i32
      %dma_start3A_72 = tpu.memref_slice %arg7[%add3A_8, %dma_start3A_71] : memref<10240x128xf32, #tpu.memory_space<vmem_shared>> -> memref<128x128xf32, #tpu.memory_space<vmem_shared>>
      tpu.enqueue_dma source(%arg10 : memref<128x128xf32, #tpu.memory_space<vmem>>) target(%dma_start3A_72 : memref<128x128xf32, #tpu.memory_space<vmem_shared>>) target_semaphore(%run_scoped3A : memref<!tpu.dma_semaphore, #tpu.memory_space<semaphore_mem>>)
      %dma_wait3A = arith.constant 0 : i32
      %dma_wait3A_73 = tpu.memref_slice %arg7[%add3A_8, %dma_wait3A] : memref<10240x128xf32, #tpu.memory_space<vmem_shared>> -> memref<128x128xf32, #tpu.memory_space<vmem_shared>>
      %dma_wait3A_74 = arith.constant 0 : i32
      %dma_wait3A_75 = tpu.memref_slice %arg7[%add3A_8, %dma_wait3A_74] : memref<10240x128xf32, #tpu.memory_space<vmem_shared>> -> memref<128x128xf32, #tpu.memory_space<vmem_shared>>
      tpu.wait_dma2 semaphore(%run_scoped3A : memref<!tpu.dma_semaphore, #tpu.memory_space<semaphore_mem>>) src(%arg10 : memref<128x128xf32, #tpu.memory_space<vmem>>) dst(%dma_wait3A_75 : memref<128x128xf32, #tpu.memory_space<vmem_shared>>)
      tpu.yield
    }) : () -> ()
    %mul3A_9 = arith.constant 640 : i32
    %mul3A_10 = arith.muli %arg1, %mul3A_9 : i32
    %add3A_11 = arith.constant 256 : i32
    %add3A_12 = arith.addi %mul3A_10, %add3A_11 : i32
    "tpu.region"() ({
      %run_scoped3A = tpu.sem_alloc : memref<!tpu.dma_semaphore, #tpu.memory_space<semaphore_mem>>
      %dma_start3A = arith.constant 0 : i32
      %dma_start3A_70 = tpu.memref_slice %arg7[%add3A_12, %dma_start3A] : memref<10240x128xf32, #tpu.memory_space<vmem_shared>> -> memref<128x128xf32, #tpu.memory_space<vmem_shared>>
      %dma_start3A_71 = arith.constant 0 : i32
      %dma_start3A_72 = tpu.memref_slice %arg7[%add3A_12, %dma_start3A_71] : memref<10240x128xf32, #tpu.memory_space<vmem_shared>> -> memref<128x128xf32, #tpu.memory_space<vmem_shared>>
      tpu.enqueue_dma source(%arg10 : memref<128x128xf32, #tpu.memory_space<vmem>>) target(%dma_start3A_72 : memref<128x128xf32, #tpu.memory_space<vmem_shared>>) target_semaphore(%run_scoped3A : memref<!tpu.dma_semaphore, #tpu.memory_space<semaphore_mem>>)
      %dma_wait3A = arith.constant 0 : i32
      %dma_wait3A_73 = tpu.memref_slice %arg7[%add3A_12, %dma_wait3A] : memref<10240x128xf32, #tpu.memory_space<vmem_shared>> -> memref<128x128xf32, #tpu.memory_space<vmem_shared>>
      %dma_wait3A_74 = arith.constant 0 : i32
      %dma_wait3A_75 = tpu.memref_slice %arg7[%add3A_12, %dma_wait3A_74] : memref<10240x128xf32, #tpu.memory_space<vmem_shared>> -> memref<128x128xf32, #tpu.memory_space<vmem_shared>>
      tpu.wait_dma2 semaphore(%run_scoped3A : memref<!tpu.dma_semaphore, #tpu.memory_space<semaphore_mem>>) src(%arg10 : memref<128x128xf32, #tpu.memory_space<vmem>>) dst(%dma_wait3A_75 : memref<128x128xf32, #tpu.memory_space<vmem_shared>>)
      tpu.yield
    }) : () -> ()
    %mul3A_13 = arith.constant 640 : i32
    %mul3A_14 = arith.muli %arg1, %mul3A_13 : i32
    %add3A_15 = arith.constant 384 : i32
    %add3A_16 = arith.addi %mul3A_14, %add3A_15 : i32
    "tpu.region"() ({
      %run_scoped3A = tpu.sem_alloc : memref<!tpu.dma_semaphore, #tpu.memory_space<semaphore_mem>>
      %dma_start3A = arith.constant 0 : i32
      %dma_start3A_70 = tpu.memref_slice %arg7[%add3A_16, %dma_start3A] : memref<10240x128xf32, #tpu.memory_space<vmem_shared>> -> memref<128x128xf32, #tpu.memory_space<vmem_shared>>
      %dma_start3A_71 = arith.constant 0 : i32
      %dma_start3A_72 = tpu.memref_slice %arg7[%add3A_16, %dma_start3A_71] : memref<10240x128xf32, #tpu.memory_space<vmem_shared>> -> memref<128x128xf32, #tpu.memory_space<vmem_shared>>
      tpu.enqueue_dma source(%arg10 : memref<128x128xf32, #tpu.memory_space<vmem>>) target(%dma_start3A_72 : memref<128x128xf32, #tpu.memory_space<vmem_shared>>) target_semaphore(%run_scoped3A : memref<!tpu.dma_semaphore, #tpu.memory_space<semaphore_mem>>)
      %dma_wait3A = arith.constant 0 : i32
      %dma_wait3A_73 = tpu.memref_slice %arg7[%add3A_16, %dma_wait3A] : memref<10240x128xf32, #tpu.memory_space<vmem_shared>> -> memref<128x128xf32, #tpu.memory_space<vmem_shared>>
      %dma_wait3A_74 = arith.constant 0 : i32
      %dma_wait3A_75 = tpu.memref_slice %arg7[%add3A_16, %dma_wait3A_74] : memref<10240x128xf32, #tpu.memory_space<vmem_shared>> -> memref<128x128xf32, #tpu.memory_space<vmem_shared>>
      tpu.wait_dma2 semaphore(%run_scoped3A : memref<!tpu.dma_semaphore, #tpu.memory_space<semaphore_mem>>) src(%arg10 : memref<128x128xf32, #tpu.memory_space<vmem>>) dst(%dma_wait3A_75 : memref<128x128xf32, #tpu.memory_space<vmem_shared>>)
      tpu.yield
    }) : () -> ()
    %mul3A_17 = arith.constant 640 : i32
    %mul3A_18 = arith.muli %arg1, %mul3A_17 : i32
    %add3A_19 = arith.constant 512 : i32
    %add3A_20 = arith.addi %mul3A_18, %add3A_19 : i32
    "tpu.region"() ({
      %run_scoped3A = tpu.sem_alloc : memref<!tpu.dma_semaphore, #tpu.memory_space<semaphore_mem>>
      %dma_start3A = arith.constant 0 : i32
      %dma_start3A_70 = tpu.memref_slice %arg7[%add3A_20, %dma_start3A] : memref<10240x128xf32, #tpu.memory_space<vmem_shared>> -> memref<128x128xf32, #tpu.memory_space<vmem_shared>>
      %dma_start3A_71 = arith.constant 0 : i32
      %dma_start3A_72 = tpu.memref_slice %arg7[%add3A_20, %dma_start3A_71] : memref<10240x128xf32, #tpu.memory_space<vmem_shared>> -> memref<128x128xf32, #tpu.memory_space<vmem_shared>>
      tpu.enqueue_dma source(%arg10 : memref<128x128xf32, #tpu.memory_space<vmem>>) target(%dma_start3A_72 : memref<128x128xf32, #tpu.memory_space<vmem_shared>>) target_semaphore(%run_scoped3A : memref<!tpu.dma_semaphore, #tpu.memory_space<semaphore_mem>>)
      %dma_wait3A = arith.constant 0 : i32
      %dma_wait3A_73 = tpu.memref_slice %arg7[%add3A_20, %dma_wait3A] : memref<10240x128xf32, #tpu.memory_space<vmem_shared>> -> memref<128x128xf32, #tpu.memory_space<vmem_shared>>
      %dma_wait3A_74 = arith.constant 0 : i32
      %dma_wait3A_75 = tpu.memref_slice %arg7[%add3A_20, %dma_wait3A_74] : memref<10240x128xf32, #tpu.memory_space<vmem_shared>> -> memref<128x128xf32, #tpu.memory_space<vmem_shared>>
      tpu.wait_dma2 semaphore(%run_scoped3A : memref<!tpu.dma_semaphore, #tpu.memory_space<semaphore_mem>>) src(%arg10 : memref<128x128xf32, #tpu.memory_space<vmem>>) dst(%dma_wait3A_75 : memref<128x128xf32, #tpu.memory_space<vmem_shared>>)
      tpu.yield
    }) : () -> ()
    %mul3A_21 = arith.constant 80 : i32
    %mul3A_22 = arith.muli %add3A, %mul3A_21 : i32
    "tpu.region"() ({
      %run_scoped3A = tpu.sem_alloc : memref<!tpu.dma_semaphore, #tpu.memory_space<semaphore_mem>>
      %dma_start3A = arith.constant 0 : i32
      %dma_start3A_70 = tpu.memref_slice %arg3[%mul3A_22, %dma_start3A] : memref<2560x128xi32, #tpu.memory_space<hbm>> -> memref<80x128xi32, #tpu.memory_space<hbm>>
      %dma_start3A_71 = arith.constant 0 : i32
      %dma_start3A_72 = tpu.memref_slice %arg3[%mul3A_22, %dma_start3A_71] : memref<2560x128xi32, #tpu.memory_space<hbm>> -> memref<80x128xi32, #tpu.memory_space<hbm>>
      tpu.enqueue_dma source(%dma_start3A_72 : memref<80x128xi32, #tpu.memory_space<hbm>>) target(%arg8 : memref<80x128xi32, #tpu.memory_space<vmem>>) target_semaphore(%run_scoped3A : memref<!tpu.dma_semaphore, #tpu.memory_space<semaphore_mem>>)
      %dma_wait3A = arith.constant 0 : i32
      %dma_wait3A_73 = tpu.memref_slice %arg3[%mul3A_22, %dma_wait3A] : memref<2560x128xi32, #tpu.memory_space<hbm>> -> memref<80x128xi32, #tpu.memory_space<hbm>>
      %dma_wait3A_74 = arith.constant 0 : i32
      %dma_wait3A_75 = tpu.memref_slice %arg3[%mul3A_22, %dma_wait3A_74] : memref<2560x128xi32, #tpu.memory_space<hbm>> -> memref<80x128xi32, #tpu.memory_space<hbm>>
      tpu.wait_dma2 semaphore(%run_scoped3A : memref<!tpu.dma_semaphore, #tpu.memory_space<semaphore_mem>>) src(%dma_wait3A_75 : memref<80x128xi32, #tpu.memory_space<hbm>>) dst(%arg8 : memref<80x128xi32, #tpu.memory_space<vmem>>)
      tpu.yield
    }) : () -> ()
    %mul3A_23 = arith.constant 80 : i32
    %mul3A_24 = arith.muli %add3A, %mul3A_23 : i32
    "tpu.region"() ({
      %run_scoped3A = tpu.sem_alloc : memref<!tpu.dma_semaphore, #tpu.memory_space<semaphore_mem>>
      %dma_start3A = arith.constant 0 : i32
      %dma_start3A_70 = tpu.memref_slice %arg4[%mul3A_24, %dma_start3A] : memref<2560x128xi32, #tpu.memory_space<hbm>> -> memref<80x128xi32, #tpu.memory_space<hbm>>
      %dma_start3A_71 = arith.constant 0 : i32
      %dma_start3A_72 = tpu.memref_slice %arg4[%mul3A_24, %dma_start3A_71] : memref<2560x128xi32, #tpu.memory_space<hbm>> -> memref<80x128xi32, #tpu.memory_space<hbm>>
      tpu.enqueue_dma source(%dma_start3A_72 : memref<80x128xi32, #tpu.memory_space<hbm>>) target(%arg9 : memref<80x128xi32, #tpu.memory_space<vmem>>) target_semaphore(%run_scoped3A : memref<!tpu.dma_semaphore, #tpu.memory_space<semaphore_mem>>)
      %dma_wait3A = arith.constant 0 : i32
      %dma_wait3A_73 = tpu.memref_slice %arg4[%mul3A_24, %dma_wait3A] : memref<2560x128xi32, #tpu.memory_space<hbm>> -> memref<80x128xi32, #tpu.memory_space<hbm>>
      %dma_wait3A_74 = arith.constant 0 : i32
      %dma_wait3A_75 = tpu.memref_slice %arg4[%mul3A_24, %dma_wait3A_74] : memref<2560x128xi32, #tpu.memory_space<hbm>> -> memref<80x128xi32, #tpu.memory_space<hbm>>
      tpu.wait_dma2 semaphore(%run_scoped3A : memref<!tpu.dma_semaphore, #tpu.memory_space<semaphore_mem>>) src(%dma_wait3A_75 : memref<80x128xi32, #tpu.memory_space<hbm>>) dst(%arg9 : memref<80x128xi32, #tpu.memory_space<vmem>>)
      tpu.yield
    }) : () -> ()
    %barrier3A = arith.constant 0 : index
    tpu.barrier barrier_id(%barrier3A)
    %scan3A = arith.constant 0 : i32
    %scan3A_25 = arith.constant 80 : i32
    %scan3A_26 = arith.addi %scan3A, %scan3A_25 : i32
    %scan3A_27 = arith.constant 1 : i32
    scf.for %scan3A_70 = %scan3A to %scan3A_26 step %scan3A_27  : i32 {
      %mul3A_71 = arith.constant 1 : i32
      %mul3A_72 = arith.muli %scan3A_70, %mul3A_71 : i32
      %add3A_73 = arith.constant 0 : i32
      %add3A_74 = arith.addi %add3A_73, %mul3A_72 : i32
      %dma_start3A = arith.constant 0 : i32
      %dma_start3A_75 = tpu.memref_slice %arg8[%add3A_74, %dma_start3A] : memref<80x128xi32, #tpu.memory_space<vmem>> -> memref<1x128xi32, #tpu.memory_space<vmem>>
      %dma_start3A_76 = tpu.memref_squeeze %dma_start3A_75 : memref<1x128xi32, #tpu.memory_space<vmem>> -> memref<128xi32, #tpu.memory_space<vmem>>
      %dma_start3A_77 = arith.constant 0 : i32
      %dma_start3A_78 = arith.constant 0 : i32
      %dma_start3A_79 = tpu.memref_slice %arg2[%dma_start3A_77, %dma_start3A_78] : memref<10000x128xf32, #tpu.memory_space<hbm>> -> memref<10000x128xf32, #tpu.memory_space<hbm>>
      tpu.enqueue_indirect_dma source(%dma_start3A_79 : memref<10000x128xf32, #tpu.memory_space<hbm>>) target(%arg10 : memref<128x128xf32, #tpu.memory_space<vmem>>) offsets(%dma_start3A_76 : memref<128xi32, #tpu.memory_space<vmem>>) semaphore(%arg11 : memref<!tpu.dma_semaphore, #tpu.memory_space<semaphore_mem>>)
      %dma_wait3A = arith.constant 0 : i32
      %dma_wait3A_80 = tpu.memref_slice %arg8[%add3A_74, %dma_wait3A] : memref<80x128xi32, #tpu.memory_space<vmem>> -> memref<1x128xi32, #tpu.memory_space<vmem>>
      %dma_wait3A_81 = tpu.memref_squeeze %dma_wait3A_80 : memref<1x128xi32, #tpu.memory_space<vmem>> -> memref<128xi32, #tpu.memory_space<vmem>>
      %dma_wait3A_82 = arith.constant 0 : i32
      %dma_wait3A_83 = arith.constant 0 : i32
      %dma_wait3A_84 = tpu.memref_slice %arg2[%dma_wait3A_82, %dma_wait3A_83] : memref<10000x128xf32, #tpu.memory_space<hbm>> -> memref<10000x128xf32, #tpu.memory_space<hbm>>
      tpu.wait_indirect_dma semaphore(%arg11 : memref<!tpu.dma_semaphore, #tpu.memory_space<semaphore_mem>>) src(%dma_wait3A_84 : memref<10000x128xf32, #tpu.memory_space<hbm>>) dst(%arg10 : memref<128x128xf32, #tpu.memory_space<vmem>>)
      "tpu.region"() ({
        %run_scoped3A = tpu.sem_alloc : memref<!tpu.dma_semaphore, #tpu.memory_space<semaphore_mem>>
        %dma_start3A_85 = arith.constant 0 : i32
        %dma_start3A_86 = tpu.memref_slice %arg9[%add3A_74, %dma_start3A_85] : memref<80x128xi32, #tpu.memory_space<vmem>> -> memref<1x128xi32, #tpu.memory_space<vmem>>
        %dma_start3A_87 = tpu.memref_squeeze %dma_start3A_86 : memref<1x128xi32, #tpu.memory_space<vmem>> -> memref<128xi32, #tpu.memory_space<vmem>>
        %dma_start3A_88 = arith.constant 0 : i32
        %dma_start3A_89 = arith.constant 0 : i32
        %dma_start3A_90 = tpu.memref_slice %arg7[%dma_start3A_88, %dma_start3A_89] : memref<10240x128xf32, #tpu.memory_space<vmem_shared>> -> memref<10240x128xf32, #tpu.memory_space<vmem_shared>>
        tpu.enqueue_indirect_dma source(%arg10 : memref<128x128xf32, #tpu.memory_space<vmem>>) target(%dma_start3A_90 : memref<10240x128xf32, #tpu.memory_space<vmem_shared>>) offsets(%dma_start3A_87 : memref<128xi32, #tpu.memory_space<vmem>>) semaphore(%run_scoped3A : memref<!tpu.dma_semaphore, #tpu.memory_space<semaphore_mem>>) {add = true}
        %dma_wait3A_91 = arith.constant 0 : i32
        %dma_wait3A_92 = tpu.memref_slice %arg9[%add3A_74, %dma_wait3A_91] : memref<80x128xi32, #tpu.memory_space<vmem>> -> memref<1x128xi32, #tpu.memory_space<vmem>>
        %dma_wait3A_93 = tpu.memref_squeeze %dma_wait3A_92 : memref<1x128xi32, #tpu.memory_space<vmem>> -> memref<128xi32, #tpu.memory_space<vmem>>
        %dma_wait3A_94 = arith.constant 0 : i32
        %dma_wait3A_95 = arith.constant 0 : i32
        %dma_wait3A_96 = tpu.memref_slice %arg7[%dma_wait3A_94, %dma_wait3A_95] : memref<10240x128xf32, #tpu.memory_space<vmem_shared>> -> memref<10240x128xf32, #tpu.memory_space<vmem_shared>>
        tpu.wait_indirect_dma semaphore(%run_scoped3A : memref<!tpu.dma_semaphore, #tpu.memory_space<semaphore_mem>>) src(%arg10 : memref<128x128xf32, #tpu.memory_space<vmem>>) dst(%dma_wait3A_96 : memref<10240x128xf32, #tpu.memory_space<vmem_shared>>)
        tpu.yield
      }) : () -> ()
    }
    %scan3A_28 = arith.constant 80 : i32
    %barrier3A_29 = arith.constant 0 : index
    tpu.barrier barrier_id(%barrier3A_29)
    %mul3A_30 = arith.constant 640 : i32
    %mul3A_31 = arith.muli %arg1, %mul3A_30 : i32
    %add3A_32 = arith.constant 0 : i32
    %add3A_33 = arith.addi %mul3A_31, %add3A_32 : i32
    "tpu.region"() ({
      %run_scoped3A = tpu.sem_alloc : memref<!tpu.dma_semaphore, #tpu.memory_space<semaphore_mem>>
      %dma_start3A = arith.constant 0 : i32
      %dma_start3A_70 = tpu.memref_slice %arg7[%add3A_33, %dma_start3A] : memref<10240x128xf32, #tpu.memory_space<vmem_shared>> -> memref<128x128xf32, #tpu.memory_space<vmem_shared>>
      %dma_start3A_71 = arith.constant 0 : i32
      %dma_start3A_72 = tpu.memref_slice %arg7[%add3A_33, %dma_start3A_71] : memref<10240x128xf32, #tpu.memory_space<vmem_shared>> -> memref<128x128xf32, #tpu.memory_space<vmem_shared>>
      tpu.enqueue_dma source(%dma_start3A_72 : memref<128x128xf32, #tpu.memory_space<vmem_shared>>) target(%arg10 : memref<128x128xf32, #tpu.memory_space<vmem>>) target_semaphore(%run_scoped3A : memref<!tpu.dma_semaphore, #tpu.memory_space<semaphore_mem>>)
      %dma_wait3A = arith.constant 0 : i32
      %dma_wait3A_73 = tpu.memref_slice %arg7[%add3A_33, %dma_wait3A] : memref<10240x128xf32, #tpu.memory_space<vmem_shared>> -> memref<128x128xf32, #tpu.memory_space<vmem_shared>>
      %dma_wait3A_74 = arith.constant 0 : i32
      %dma_wait3A_75 = tpu.memref_slice %arg7[%add3A_33, %dma_wait3A_74] : memref<10240x128xf32, #tpu.memory_space<vmem_shared>> -> memref<128x128xf32, #tpu.memory_space<vmem_shared>>
      tpu.wait_dma2 semaphore(%run_scoped3A : memref<!tpu.dma_semaphore, #tpu.memory_space<semaphore_mem>>) src(%dma_wait3A_75 : memref<128x128xf32, #tpu.memory_space<vmem_shared>>) dst(%arg10 : memref<128x128xf32, #tpu.memory_space<vmem>>)
      tpu.yield
    }) : () -> ()
    %mul3A_34 = arith.constant 640 : i32
    %mul3A_35 = arith.muli %arg1, %mul3A_34 : i32
    %add3A_36 = arith.constant 0 : i32
    %add3A_37 = arith.addi %mul3A_35, %add3A_36 : i32
    "tpu.region"() ({
      %run_scoped3A = tpu.sem_alloc : memref<!tpu.dma_semaphore, #tpu.memory_space<semaphore_mem>>
      %dma_start3A = arith.constant 0 : i32
      %dma_start3A_70 = tpu.memref_slice %arg6[%arg0, %add3A_37, %dma_start3A] : memref<2x10240x128xf32, #tpu.memory_space<hbm>> -> memref<1x128x128xf32, #tpu.memory_space<hbm>>
      %dma_start3A_71 = tpu.memref_squeeze %dma_start3A_70 : memref<1x128x128xf32, #tpu.memory_space<hbm>> -> memref<128x128xf32, #tpu.memory_space<hbm>>
      %dma_start3A_72 = arith.constant 0 : i32
      %dma_start3A_73 = tpu.memref_slice %arg6[%arg0, %add3A_37, %dma_start3A_72] : memref<2x10240x128xf32, #tpu.memory_space<hbm>> -> memref<1x128x128xf32, #tpu.memory_space<hbm>>
      %dma_start3A_74 = tpu.memref_squeeze %dma_start3A_73 : memref<1x128x128xf32, #tpu.memory_space<hbm>> -> memref<128x128xf32, #tpu.memory_space<hbm>>
      tpu.enqueue_dma source(%arg10 : memref<128x128xf32, #tpu.memory_space<vmem>>) target(%dma_start3A_74 : memref<128x128xf32, #tpu.memory_space<hbm>>) target_semaphore(%run_scoped3A : memref<!tpu.dma_semaphore, #tpu.memory_space<semaphore_mem>>)
      %dma_wait3A = arith.constant 0 : i32
      %dma_wait3A_75 = tpu.memref_slice %arg6[%arg0, %add3A_37, %dma_wait3A] : memref<2x10240x128xf32, #tpu.memory_space<hbm>> -> memref<1x128x128xf32, #tpu.memory_space<hbm>>
      %dma_wait3A_76 = tpu.memref_squeeze %dma_wait3A_75 : memref<1x128x128xf32, #tpu.memory_space<hbm>> -> memref<128x128xf32, #tpu.memory_space<hbm>>
      %dma_wait3A_77 = arith.constant 0 : i32
      %dma_wait3A_78 = tpu.memref_slice %arg6[%arg0, %add3A_37, %dma_wait3A_77] : memref<2x10240x128xf32, #tpu.memory_space<hbm>> -> memref<1x128x128xf32, #tpu.memory_space<hbm>>
      %dma_wait3A_79 = tpu.memref_squeeze %dma_wait3A_78 : memref<1x128x128xf32, #tpu.memory_space<hbm>> -> memref<128x128xf32, #tpu.memory_space<hbm>>
      tpu.wait_dma2 semaphore(%run_scoped3A : memref<!tpu.dma_semaphore, #tpu.memory_space<semaphore_mem>>) src(%arg10 : memref<128x128xf32, #tpu.memory_space<vmem>>) dst(%dma_wait3A_79 : memref<128x128xf32, #tpu.memory_space<hbm>>)
      tpu.yield
    }) : () -> ()
    %mul3A_38 = arith.constant 640 : i32
    %mul3A_39 = arith.muli %arg1, %mul3A_38 : i32
    %add3A_40 = arith.constant 128 : i32
    %add3A_41 = arith.addi %mul3A_39, %add3A_40 : i32
    "tpu.region"() ({
      %run_scoped3A = tpu.sem_alloc : memref<!tpu.dma_semaphore, #tpu.memory_space<semaphore_mem>>
      %dma_start3A = arith.constant 0 : i32
      %dma_start3A_70 = tpu.memref_slice %arg7[%add3A_41, %dma_start3A] : memref<10240x128xf32, #tpu.memory_space<vmem_shared>> -> memref<128x128xf32, #tpu.memory_space<vmem_shared>>
      %dma_start3A_71 = arith.constant 0 : i32
      %dma_start3A_72 = tpu.memref_slice %arg7[%add3A_41, %dma_start3A_71] : memref<10240x128xf32, #tpu.memory_space<vmem_shared>> -> memref<128x128xf32, #tpu.memory_space<vmem_shared>>
      tpu.enqueue_dma source(%dma_start3A_72 : memref<128x128xf32, #tpu.memory_space<vmem_shared>>) target(%arg10 : memref<128x128xf32, #tpu.memory_space<vmem>>) target_semaphore(%run_scoped3A : memref<!tpu.dma_semaphore, #tpu.memory_space<semaphore_mem>>)
      %dma_wait3A = arith.constant 0 : i32
      %dma_wait3A_73 = tpu.memref_slice %arg7[%add3A_41, %dma_wait3A] : memref<10240x128xf32, #tpu.memory_space<vmem_shared>> -> memref<128x128xf32, #tpu.memory_space<vmem_shared>>
      %dma_wait3A_74 = arith.constant 0 : i32
      %dma_wait3A_75 = tpu.memref_slice %arg7[%add3A_41, %dma_wait3A_74] : memref<10240x128xf32, #tpu.memory_space<vmem_shared>> -> memref<128x128xf32, #tpu.memory_space<vmem_shared>>
      tpu.wait_dma2 semaphore(%run_scoped3A : memref<!tpu.dma_semaphore, #tpu.memory_space<semaphore_mem>>) src(%dma_wait3A_75 : memref<128x128xf32, #tpu.memory_space<vmem_shared>>) dst(%arg10 : memref<128x128xf32, #tpu.memory_space<vmem>>)
      tpu.yield
    }) : () -> ()
    %mul3A_42 = arith.constant 640 : i32
    %mul3A_43 = arith.muli %arg1, %mul3A_42 : i32
    %add3A_44 = arith.constant 128 : i32
    %add3A_45 = arith.addi %mul3A_43, %add3A_44 : i32
    "tpu.region"() ({
      %run_scoped3A = tpu.sem_alloc : memref<!tpu.dma_semaphore, #tpu.memory_space<semaphore_mem>>
      %dma_start3A = arith.constant 0 : i32
      %dma_start3A_70 = tpu.memref_slice %arg6[%arg0, %add3A_45, %dma_start3A] : memref<2x10240x128xf32, #tpu.memory_space<hbm>> -> memref<1x128x128xf32, #tpu.memory_space<hbm>>
      %dma_start3A_71 = tpu.memref_squeeze %dma_start3A_70 : memref<1x128x128xf32, #tpu.memory_space<hbm>> -> memref<128x128xf32, #tpu.memory_space<hbm>>
      %dma_start3A_72 = arith.constant 0 : i32
      %dma_start3A_73 = tpu.memref_slice %arg6[%arg0, %add3A_45, %dma_start3A_72] : memref<2x10240x128xf32, #tpu.memory_space<hbm>> -> memref<1x128x128xf32, #tpu.memory_space<hbm>>
      %dma_start3A_74 = tpu.memref_squeeze %dma_start3A_73 : memref<1x128x128xf32, #tpu.memory_space<hbm>> -> memref<128x128xf32, #tpu.memory_space<hbm>>
      tpu.enqueue_dma source(%arg10 : memref<128x128xf32, #tpu.memory_space<vmem>>) target(%dma_start3A_74 : memref<128x128xf32, #tpu.memory_space<hbm>>) target_semaphore(%run_scoped3A : memref<!tpu.dma_semaphore, #tpu.memory_space<semaphore_mem>>)
      %dma_wait3A = arith.constant 0 : i32
      %dma_wait3A_75 = tpu.memref_slice %arg6[%arg0, %add3A_45, %dma_wait3A] : memref<2x10240x128xf32, #tpu.memory_space<hbm>> -> memref<1x128x128xf32, #tpu.memory_space<hbm>>
      %dma_wait3A_76 = tpu.memref_squeeze %dma_wait3A_75 : memref<1x128x128xf32, #tpu.memory_space<hbm>> -> memref<128x128xf32, #tpu.memory_space<hbm>>
      %dma_wait3A_77 = arith.constant 0 : i32
      %dma_wait3A_78 = tpu.memref_slice %arg6[%arg0, %add3A_45, %dma_wait3A_77] : memref<2x10240x128xf32, #tpu.memory_space<hbm>> -> memref<1x128x128xf32, #tpu.memory_space<hbm>>
      %dma_wait3A_79 = tpu.memref_squeeze %dma_wait3A_78 : memref<1x128x128xf32, #tpu.memory_space<hbm>> -> memref<128x128xf32, #tpu.memory_space<hbm>>
      tpu.wait_dma2 semaphore(%run_scoped3A : memref<!tpu.dma_semaphore, #tpu.memory_space<semaphore_mem>>) src(%arg10 : memref<128x128xf32, #tpu.memory_space<vmem>>) dst(%dma_wait3A_79 : memref<128x128xf32, #tpu.memory_space<hbm>>)
      tpu.yield
    }) : () -> ()
    %mul3A_46 = arith.constant 640 : i32
    %mul3A_47 = arith.muli %arg1, %mul3A_46 : i32
    %add3A_48 = arith.constant 256 : i32
    %add3A_49 = arith.addi %mul3A_47, %add3A_48 : i32
    "tpu.region"() ({
      %run_scoped3A = tpu.sem_alloc : memref<!tpu.dma_semaphore, #tpu.memory_space<semaphore_mem>>
      %dma_start3A = arith.constant 0 : i32
      %dma_start3A_70 = tpu.memref_slice %arg7[%add3A_49, %dma_start3A] : memref<10240x128xf32, #tpu.memory_space<vmem_shared>> -> memref<128x128xf32, #tpu.memory_space<vmem_shared>>
      %dma_start3A_71 = arith.constant 0 : i32
      %dma_start3A_72 = tpu.memref_slice %arg7[%add3A_49, %dma_start3A_71] : memref<10240x128xf32, #tpu.memory_space<vmem_shared>> -> memref<128x128xf32, #tpu.memory_space<vmem_shared>>
      tpu.enqueue_dma source(%dma_start3A_72 : memref<128x128xf32, #tpu.memory_space<vmem_shared>>) target(%arg10 : memref<128x128xf32, #tpu.memory_space<vmem>>) target_semaphore(%run_scoped3A : memref<!tpu.dma_semaphore, #tpu.memory_space<semaphore_mem>>)
      %dma_wait3A = arith.constant 0 : i32
      %dma_wait3A_73 = tpu.memref_slice %arg7[%add3A_49, %dma_wait3A] : memref<10240x128xf32, #tpu.memory_space<vmem_shared>> -> memref<128x128xf32, #tpu.memory_space<vmem_shared>>
      %dma_wait3A_74 = arith.constant 0 : i32
      %dma_wait3A_75 = tpu.memref_slice %arg7[%add3A_49, %dma_wait3A_74] : memref<10240x128xf32, #tpu.memory_space<vmem_shared>> -> memref<128x128xf32, #tpu.memory_space<vmem_shared>>
      tpu.wait_dma2 semaphore(%run_scoped3A : memref<!tpu.dma_semaphore, #tpu.memory_space<semaphore_mem>>) src(%dma_wait3A_75 : memref<128x128xf32, #tpu.memory_space<vmem_shared>>) dst(%arg10 : memref<128x128xf32, #tpu.memory_space<vmem>>)
      tpu.yield
    }) : () -> ()
    %mul3A_50 = arith.constant 640 : i32
    %mul3A_51 = arith.muli %arg1, %mul3A_50 : i32
    %add3A_52 = arith.constant 256 : i32
    %add3A_53 = arith.addi %mul3A_51, %add3A_52 : i32
    "tpu.region"() ({
      %run_scoped3A = tpu.sem_alloc : memref<!tpu.dma_semaphore, #tpu.memory_space<semaphore_mem>>
      %dma_start3A = arith.constant 0 : i32
      %dma_start3A_70 = tpu.memref_slice %arg6[%arg0, %add3A_53, %dma_start3A] : memref<2x10240x128xf32, #tpu.memory_space<hbm>> -> memref<1x128x128xf32, #tpu.memory_space<hbm>>
      %dma_start3A_71 = tpu.memref_squeeze %dma_start3A_70 : memref<1x128x128xf32, #tpu.memory_space<hbm>> -> memref<128x128xf32, #tpu.memory_space<hbm>>
      %dma_start3A_72 = arith.constant 0 : i32
      %dma_start3A_73 = tpu.memref_slice %arg6[%arg0, %add3A_53, %dma_start3A_72] : memref<2x10240x128xf32, #tpu.memory_space<hbm>> -> memref<1x128x128xf32, #tpu.memory_space<hbm>>
      %dma_start3A_74 = tpu.memref_squeeze %dma_start3A_73 : memref<1x128x128xf32, #tpu.memory_space<hbm>> -> memref<128x128xf32, #tpu.memory_space<hbm>>
      tpu.enqueue_dma source(%arg10 : memref<128x128xf32, #tpu.memory_space<vmem>>) target(%dma_start3A_74 : memref<128x128xf32, #tpu.memory_space<hbm>>) target_semaphore(%run_scoped3A : memref<!tpu.dma_semaphore, #tpu.memory_space<semaphore_mem>>)
      %dma_wait3A = arith.constant 0 : i32
      %dma_wait3A_75 = tpu.memref_slice %arg6[%arg0, %add3A_53, %dma_wait3A] : memref<2x10240x128xf32, #tpu.memory_space<hbm>> -> memref<1x128x128xf32, #tpu.memory_space<hbm>>
      %dma_wait3A_76 = tpu.memref_squeeze %dma_wait3A_75 : memref<1x128x128xf32, #tpu.memory_space<hbm>> -> memref<128x128xf32, #tpu.memory_space<hbm>>
      %dma_wait3A_77 = arith.constant 0 : i32
      %dma_wait3A_78 = tpu.memref_slice %arg6[%arg0, %add3A_53, %dma_wait3A_77] : memref<2x10240x128xf32, #tpu.memory_space<hbm>> -> memref<1x128x128xf32, #tpu.memory_space<hbm>>
      %dma_wait3A_79 = tpu.memref_squeeze %dma_wait3A_78 : memref<1x128x128xf32, #tpu.memory_space<hbm>> -> memref<128x128xf32, #tpu.memory_space<hbm>>
      tpu.wait_dma2 semaphore(%run_scoped3A : memref<!tpu.dma_semaphore, #tpu.memory_space<semaphore_mem>>) src(%arg10 : memref<128x128xf32, #tpu.memory_space<vmem>>) dst(%dma_wait3A_79 : memref<128x128xf32, #tpu.memory_space<hbm>>)
      tpu.yield
    }) : () -> ()
    %mul3A_54 = arith.constant 640 : i32
    %mul3A_55 = arith.muli %arg1, %mul3A_54 : i32
    %add3A_56 = arith.constant 384 : i32
    %add3A_57 = arith.addi %mul3A_55, %add3A_56 : i32
    "tpu.region"() ({
      %run_scoped3A = tpu.sem_alloc : memref<!tpu.dma_semaphore, #tpu.memory_space<semaphore_mem>>
      %dma_start3A = arith.constant 0 : i32
      %dma_start3A_70 = tpu.memref_slice %arg7[%add3A_57, %dma_start3A] : memref<10240x128xf32, #tpu.memory_space<vmem_shared>> -> memref<128x128xf32, #tpu.memory_space<vmem_shared>>
      %dma_start3A_71 = arith.constant 0 : i32
      %dma_start3A_72 = tpu.memref_slice %arg7[%add3A_57, %dma_start3A_71] : memref<10240x128xf32, #tpu.memory_space<vmem_shared>> -> memref<128x128xf32, #tpu.memory_space<vmem_shared>>
      tpu.enqueue_dma source(%dma_start3A_72 : memref<128x128xf32, #tpu.memory_space<vmem_shared>>) target(%arg10 : memref<128x128xf32, #tpu.memory_space<vmem>>) target_semaphore(%run_scoped3A : memref<!tpu.dma_semaphore, #tpu.memory_space<semaphore_mem>>)
      %dma_wait3A = arith.constant 0 : i32
      %dma_wait3A_73 = tpu.memref_slice %arg7[%add3A_57, %dma_wait3A] : memref<10240x128xf32, #tpu.memory_space<vmem_shared>> -> memref<128x128xf32, #tpu.memory_space<vmem_shared>>
      %dma_wait3A_74 = arith.constant 0 : i32
      %dma_wait3A_75 = tpu.memref_slice %arg7[%add3A_57, %dma_wait3A_74] : memref<10240x128xf32, #tpu.memory_space<vmem_shared>> -> memref<128x128xf32, #tpu.memory_space<vmem_shared>>
      tpu.wait_dma2 semaphore(%run_scoped3A : memref<!tpu.dma_semaphore, #tpu.memory_space<semaphore_mem>>) src(%dma_wait3A_75 : memref<128x128xf32, #tpu.memory_space<vmem_shared>>) dst(%arg10 : memref<128x128xf32, #tpu.memory_space<vmem>>)
      tpu.yield
    }) : () -> ()
    %mul3A_58 = arith.constant 640 : i32
    %mul3A_59 = arith.muli %arg1, %mul3A_58 : i32
    %add3A_60 = arith.constant 384 : i32
    %add3A_61 = arith.addi %mul3A_59, %add3A_60 : i32
    "tpu.region"() ({
      %run_scoped3A = tpu.sem_alloc : memref<!tpu.dma_semaphore, #tpu.memory_space<semaphore_mem>>
      %dma_start3A = arith.constant 0 : i32
      %dma_start3A_70 = tpu.memref_slice %arg6[%arg0, %add3A_61, %dma_start3A] : memref<2x10240x128xf32, #tpu.memory_space<hbm>> -> memref<1x128x128xf32, #tpu.memory_space<hbm>>
      %dma_start3A_71 = tpu.memref_squeeze %dma_start3A_70 : memref<1x128x128xf32, #tpu.memory_space<hbm>> -> memref<128x128xf32, #tpu.memory_space<hbm>>
      %dma_start3A_72 = arith.constant 0 : i32
      %dma_start3A_73 = tpu.memref_slice %arg6[%arg0, %add3A_61, %dma_start3A_72] : memref<2x10240x128xf32, #tpu.memory_space<hbm>> -> memref<1x128x128xf32, #tpu.memory_space<hbm>>
      %dma_start3A_74 = tpu.memref_squeeze %dma_start3A_73 : memref<1x128x128xf32, #tpu.memory_space<hbm>> -> memref<128x128xf32, #tpu.memory_space<hbm>>
      tpu.enqueue_dma source(%arg10 : memref<128x128xf32, #tpu.memory_space<vmem>>) target(%dma_start3A_74 : memref<128x128xf32, #tpu.memory_space<hbm>>) target_semaphore(%run_scoped3A : memref<!tpu.dma_semaphore, #tpu.memory_space<semaphore_mem>>)
      %dma_wait3A = arith.constant 0 : i32
      %dma_wait3A_75 = tpu.memref_slice %arg6[%arg0, %add3A_61, %dma_wait3A] : memref<2x10240x128xf32, #tpu.memory_space<hbm>> -> memref<1x128x128xf32, #tpu.memory_space<hbm>>
      %dma_wait3A_76 = tpu.memref_squeeze %dma_wait3A_75 : memref<1x128x128xf32, #tpu.memory_space<hbm>> -> memref<128x128xf32, #tpu.memory_space<hbm>>
      %dma_wait3A_77 = arith.constant 0 : i32
      %dma_wait3A_78 = tpu.memref_slice %arg6[%arg0, %add3A_61, %dma_wait3A_77] : memref<2x10240x128xf32, #tpu.memory_space<hbm>> -> memref<1x128x128xf32, #tpu.memory_space<hbm>>
      %dma_wait3A_79 = tpu.memref_squeeze %dma_wait3A_78 : memref<1x128x128xf32, #tpu.memory_space<hbm>> -> memref<128x128xf32, #tpu.memory_space<hbm>>
      tpu.wait_dma2 semaphore(%run_scoped3A : memref<!tpu.dma_semaphore, #tpu.memory_space<semaphore_mem>>) src(%arg10 : memref<128x128xf32, #tpu.memory_space<vmem>>) dst(%dma_wait3A_79 : memref<128x128xf32, #tpu.memory_space<hbm>>)
      tpu.yield
    }) : () -> ()
    %mul3A_62 = arith.constant 640 : i32
    %mul3A_63 = arith.muli %arg1, %mul3A_62 : i32
    %add3A_64 = arith.constant 512 : i32
    %add3A_65 = arith.addi %mul3A_63, %add3A_64 : i32
    "tpu.region"() ({
      %run_scoped3A = tpu.sem_alloc : memref<!tpu.dma_semaphore, #tpu.memory_space<semaphore_mem>>
      %dma_start3A = arith.constant 0 : i32
      %dma_start3A_70 = tpu.memref_slice %arg7[%add3A_65, %dma_start3A] : memref<10240x128xf32, #tpu.memory_space<vmem_shared>> -> memref<128x128xf32, #tpu.memory_space<vmem_shared>>
      %dma_start3A_71 = arith.constant 0 : i32
      %dma_start3A_72 = tpu.memref_slice %arg7[%add3A_65, %dma_start3A_71] : memref<10240x128xf32, #tpu.memory_space<vmem_shared>> -> memref<128x128xf32, #tpu.memory_space<vmem_shared>>
      tpu.enqueue_dma source(%dma_start3A_72 : memref<128x128xf32, #tpu.memory_space<vmem_shared>>) target(%arg10 : memref<128x128xf32, #tpu.memory_space<vmem>>) target_semaphore(%run_scoped3A : memref<!tpu.dma_semaphore, #tpu.memory_space<semaphore_mem>>)
      %dma_wait3A = arith.constant 0 : i32
      %dma_wait3A_73 = tpu.memref_slice %arg7[%add3A_65, %dma_wait3A] : memref<10240x128xf32, #tpu.memory_space<vmem_shared>> -> memref<128x128xf32, #tpu.memory_space<vmem_shared>>
      %dma_wait3A_74 = arith.constant 0 : i32
      %dma_wait3A_75 = tpu.memref_slice %arg7[%add3A_65, %dma_wait3A_74] : memref<10240x128xf32, #tpu.memory_space<vmem_shared>> -> memref<128x128xf32, #tpu.memory_space<vmem_shared>>
      tpu.wait_dma2 semaphore(%run_scoped3A : memref<!tpu.dma_semaphore, #tpu.memory_space<semaphore_mem>>) src(%dma_wait3A_75 : memref<128x128xf32, #tpu.memory_space<vmem_shared>>) dst(%arg10 : memref<128x128xf32, #tpu.memory_space<vmem>>)
      tpu.yield
    }) : () -> ()
    %mul3A_66 = arith.constant 640 : i32
    %mul3A_67 = arith.muli %arg1, %mul3A_66 : i32
    %add3A_68 = arith.constant 512 : i32
    %add3A_69 = arith.addi %mul3A_67, %add3A_68 : i32
    "tpu.region"() ({
      %run_scoped3A = tpu.sem_alloc : memref<!tpu.dma_semaphore, #tpu.memory_space<semaphore_mem>>
      %dma_start3A = arith.constant 0 : i32
      %dma_start3A_70 = tpu.memref_slice %arg6[%arg0, %add3A_69, %dma_start3A] : memref<2x10240x128xf32, #tpu.memory_space<hbm>> -> memref<1x128x128xf32, #tpu.memory_space<hbm>>
      %dma_start3A_71 = tpu.memref_squeeze %dma_start3A_70 : memref<1x128x128xf32, #tpu.memory_space<hbm>> -> memref<128x128xf32, #tpu.memory_space<hbm>>
      %dma_start3A_72 = arith.constant 0 : i32
      %dma_start3A_73 = tpu.memref_slice %arg6[%arg0, %add3A_69, %dma_start3A_72] : memref<2x10240x128xf32, #tpu.memory_space<hbm>> -> memref<1x128x128xf32, #tpu.memory_space<hbm>>
      %dma_start3A_74 = tpu.memref_squeeze %dma_start3A_73 : memref<1x128x128xf32, #tpu.memory_space<hbm>> -> memref<128x128xf32, #tpu.memory_space<hbm>>
      tpu.enqueue_dma source(%arg10 : memref<128x128xf32, #tpu.memory_space<vmem>>) target(%dma_start3A_74 : memref<128x128xf32, #tpu.memory_space<hbm>>) target_semaphore(%run_scoped3A : memref<!tpu.dma_semaphore, #tpu.memory_space<semaphore_mem>>)
      %dma_wait3A = arith.constant 0 : i32
      %dma_wait3A_75 = tpu.memref_slice %arg6[%arg0, %add3A_69, %dma_wait3A] : memref<2x10240x128xf32, #tpu.memory_space<hbm>> -> memref<1x128x128xf32, #tpu.memory_space<hbm>>
      %dma_wait3A_76 = tpu.memref_squeeze %dma_wait3A_75 : memref<1x128x128xf32, #tpu.memory_space<hbm>> -> memref<128x128xf32, #tpu.memory_space<hbm>>
      %dma_wait3A_77 = arith.constant 0 : i32
      %dma_wait3A_78 = tpu.memref_slice %arg6[%arg0, %add3A_69, %dma_wait3A_77] : memref<2x10240x128xf32, #tpu.memory_space<hbm>> -> memref<1x128x128xf32, #tpu.memory_space<hbm>>
      %dma_wait3A_79 = tpu.memref_squeeze %dma_wait3A_78 : memref<1x128x128xf32, #tpu.memory_space<hbm>> -> memref<128x128xf32, #tpu.memory_space<hbm>>
      tpu.wait_dma2 semaphore(%run_scoped3A : memref<!tpu.dma_semaphore, #tpu.memory_space<semaphore_mem>>) src(%arg10 : memref<128x128xf32, #tpu.memory_space<vmem>>) dst(%dma_wait3A_79 : memref<128x128xf32, #tpu.memory_space<hbm>>)
      tpu.yield
    }) : () -> ()
    return
  }
}

#map = affine_map<(d0, d1) -> (0, 0)>
#map1 = affine_map<(d0, d1) -> (0)>
module attributes {stable_mosaic.version = 14 : i64} {
  func.func @deg_k(%arg0: i32, %arg1: i32, %arg2: memref<2560x128xi32, #tpu.memory_space<hbm>>, %arg3: memref<640xf32, #tpu.memory_space<hbm>>, %arg4: memref<128xf32, #tpu.memory_space<hbm>>, %arg5: memref<20480xf32, #tpu.memory_space<hbm>>, %arg6: memref<10240xf32, #tpu.memory_space<vmem_shared>>, %arg7: memref<80x128xi32, #tpu.memory_space<vmem>>, %arg8: memref<128xf32, #tpu.memory_space<vmem>>, %arg9: memref<640xf32, #tpu.memory_space<vmem>>) attributes {dimension_semantics = [#tpu.dimension_semantics<core_parallel>, #tpu.dimension_semantics<subcore_parallel>], iteration_bounds = array<i64: 2, 16>, scalar_prefetch = 0 : i64, scratch_operands = 4 : i64, tpu.core_type = #tpu.core_type<sc_vector_subcore>, window_params = [{transform_indices = #map}, {transform_indices = #map1}, {transform_indices = #map1}, {transform_indices = #map1}]} {
    %mul3A = arith.constant 16 : i32
    %mul3A_0 = arith.muli %arg0, %mul3A : i32
    %add3A = arith.addi %mul3A_0, %arg1 : i32
    "tpu.region"() ({
      %run_scoped3A = tpu.sem_alloc : memref<!tpu.dma_semaphore, #tpu.memory_space<semaphore_mem>>
      tpu.enqueue_dma source(%arg3 : memref<640xf32, #tpu.memory_space<hbm>>) target(%arg9 : memref<640xf32, #tpu.memory_space<vmem>>) target_semaphore(%run_scoped3A : memref<!tpu.dma_semaphore, #tpu.memory_space<semaphore_mem>>)
      tpu.wait_dma2 semaphore(%run_scoped3A : memref<!tpu.dma_semaphore, #tpu.memory_space<semaphore_mem>>) src(%arg3 : memref<640xf32, #tpu.memory_space<hbm>>) dst(%arg9 : memref<640xf32, #tpu.memory_space<vmem>>)
      tpu.yield
    }) : () -> ()
    %mul3A_1 = arith.constant 640 : i32
    %mul3A_2 = arith.muli %arg1, %mul3A_1 : i32
    "tpu.region"() ({
      %run_scoped3A = tpu.sem_alloc : memref<!tpu.dma_semaphore, #tpu.memory_space<semaphore_mem>>
      %dma_start3A = tpu.memref_slice %arg6[%mul3A_2] : memref<10240xf32, #tpu.memory_space<vmem_shared>> -> memref<640xf32, #tpu.memory_space<vmem_shared>>
      %dma_start3A_17 = tpu.memref_slice %arg6[%mul3A_2] : memref<10240xf32, #tpu.memory_space<vmem_shared>> -> memref<640xf32, #tpu.memory_space<vmem_shared>>
      tpu.enqueue_dma source(%arg9 : memref<640xf32, #tpu.memory_space<vmem>>) target(%dma_start3A_17 : memref<640xf32, #tpu.memory_space<vmem_shared>>) target_semaphore(%run_scoped3A : memref<!tpu.dma_semaphore, #tpu.memory_space<semaphore_mem>>)
      %dma_wait3A = tpu.memref_slice %arg6[%mul3A_2] : memref<10240xf32, #tpu.memory_space<vmem_shared>> -> memref<640xf32, #tpu.memory_space<vmem_shared>>
      %dma_wait3A_18 = tpu.memref_slice %arg6[%mul3A_2] : memref<10240xf32, #tpu.memory_space<vmem_shared>> -> memref<640xf32, #tpu.memory_space<vmem_shared>>
      tpu.wait_dma2 semaphore(%run_scoped3A : memref<!tpu.dma_semaphore, #tpu.memory_space<semaphore_mem>>) src(%arg9 : memref<640xf32, #tpu.memory_space<vmem>>) dst(%dma_wait3A_18 : memref<640xf32, #tpu.memory_space<vmem_shared>>)
      tpu.yield
    }) : () -> ()
    "tpu.region"() ({
      %run_scoped3A = tpu.sem_alloc : memref<!tpu.dma_semaphore, #tpu.memory_space<semaphore_mem>>
      tpu.enqueue_dma source(%arg4 : memref<128xf32, #tpu.memory_space<hbm>>) target(%arg8 : memref<128xf32, #tpu.memory_space<vmem>>) target_semaphore(%run_scoped3A : memref<!tpu.dma_semaphore, #tpu.memory_space<semaphore_mem>>)
      tpu.wait_dma2 semaphore(%run_scoped3A : memref<!tpu.dma_semaphore, #tpu.memory_space<semaphore_mem>>) src(%arg4 : memref<128xf32, #tpu.memory_space<hbm>>) dst(%arg8 : memref<128xf32, #tpu.memory_space<vmem>>)
      tpu.yield
    }) : () -> ()
    %mul3A_3 = arith.constant 80 : i32
    %mul3A_4 = arith.muli %add3A, %mul3A_3 : i32
    "tpu.region"() ({
      %run_scoped3A = tpu.sem_alloc : memref<!tpu.dma_semaphore, #tpu.memory_space<semaphore_mem>>
      %dma_start3A = arith.constant 0 : i32
      %dma_start3A_17 = tpu.memref_slice %arg2[%mul3A_4, %dma_start3A] : memref<2560x128xi32, #tpu.memory_space<hbm>> -> memref<80x128xi32, #tpu.memory_space<hbm>>
      %dma_start3A_18 = arith.constant 0 : i32
      %dma_start3A_19 = tpu.memref_slice %arg2[%mul3A_4, %dma_start3A_18] : memref<2560x128xi32, #tpu.memory_space<hbm>> -> memref<80x128xi32, #tpu.memory_space<hbm>>
      tpu.enqueue_dma source(%dma_start3A_19 : memref<80x128xi32, #tpu.memory_space<hbm>>) target(%arg7 : memref<80x128xi32, #tpu.memory_space<vmem>>) target_semaphore(%run_scoped3A : memref<!tpu.dma_semaphore, #tpu.memory_space<semaphore_mem>>)
      %dma_wait3A = arith.constant 0 : i32
      %dma_wait3A_20 = tpu.memref_slice %arg2[%mul3A_4, %dma_wait3A] : memref<2560x128xi32, #tpu.memory_space<hbm>> -> memref<80x128xi32, #tpu.memory_space<hbm>>
      %dma_wait3A_21 = arith.constant 0 : i32
      %dma_wait3A_22 = tpu.memref_slice %arg2[%mul3A_4, %dma_wait3A_21] : memref<2560x128xi32, #tpu.memory_space<hbm>> -> memref<80x128xi32, #tpu.memory_space<hbm>>
      tpu.wait_dma2 semaphore(%run_scoped3A : memref<!tpu.dma_semaphore, #tpu.memory_space<semaphore_mem>>) src(%dma_wait3A_22 : memref<80x128xi32, #tpu.memory_space<hbm>>) dst(%arg7 : memref<80x128xi32, #tpu.memory_space<vmem>>)
      tpu.yield
    }) : () -> ()
    %barrier3A = arith.constant 0 : index
    tpu.barrier barrier_id(%barrier3A)
    %scan3A = arith.constant 0 : i32
    %scan3A_5 = arith.constant 80 : i32
    %scan3A_6 = arith.addi %scan3A, %scan3A_5 : i32
    %scan3A_7 = arith.constant 1 : i32
    scf.for %scan3A_17 = %scan3A to %scan3A_6 step %scan3A_7  : i32 {
      %mul3A_18 = arith.constant 1 : i32
      %mul3A_19 = arith.muli %scan3A_17, %mul3A_18 : i32
      %add3A_20 = arith.constant 0 : i32
      %add3A_21 = arith.addi %add3A_20, %mul3A_19 : i32
      "tpu.region"() ({
        %run_scoped3A = tpu.sem_alloc : memref<!tpu.dma_semaphore, #tpu.memory_space<semaphore_mem>>
        %dma_start3A = arith.constant 0 : i32
        %dma_start3A_22 = tpu.memref_slice %arg7[%add3A_21, %dma_start3A] : memref<80x128xi32, #tpu.memory_space<vmem>> -> memref<1x128xi32, #tpu.memory_space<vmem>>
        %dma_start3A_23 = tpu.memref_squeeze %dma_start3A_22 : memref<1x128xi32, #tpu.memory_space<vmem>> -> memref<128xi32, #tpu.memory_space<vmem>>
        %dma_start3A_24 = arith.constant 0 : i32
        %dma_start3A_25 = tpu.memref_slice %arg6[%dma_start3A_24] : memref<10240xf32, #tpu.memory_space<vmem_shared>> -> memref<10240xf32, #tpu.memory_space<vmem_shared>>
        tpu.enqueue_indirect_dma source(%arg8 : memref<128xf32, #tpu.memory_space<vmem>>) target(%dma_start3A_25 : memref<10240xf32, #tpu.memory_space<vmem_shared>>) offsets(%dma_start3A_23 : memref<128xi32, #tpu.memory_space<vmem>>) semaphore(%run_scoped3A : memref<!tpu.dma_semaphore, #tpu.memory_space<semaphore_mem>>) {add = true}
        %dma_wait3A = arith.constant 0 : i32
        %dma_wait3A_26 = tpu.memref_slice %arg7[%add3A_21, %dma_wait3A] : memref<80x128xi32, #tpu.memory_space<vmem>> -> memref<1x128xi32, #tpu.memory_space<vmem>>
        %dma_wait3A_27 = tpu.memref_squeeze %dma_wait3A_26 : memref<1x128xi32, #tpu.memory_space<vmem>> -> memref<128xi32, #tpu.memory_space<vmem>>
        %dma_wait3A_28 = arith.constant 0 : i32
        %dma_wait3A_29 = tpu.memref_slice %arg6[%dma_wait3A_28] : memref<10240xf32, #tpu.memory_space<vmem_shared>> -> memref<10240xf32, #tpu.memory_space<vmem_shared>>
        tpu.wait_indirect_dma semaphore(%run_scoped3A : memref<!tpu.dma_semaphore, #tpu.memory_space<semaphore_mem>>) src(%arg8 : memref<128xf32, #tpu.memory_space<vmem>>) dst(%dma_wait3A_29 : memref<10240xf32, #tpu.memory_space<vmem_shared>>)
        tpu.yield
      }) : () -> ()
    }
    %scan3A_8 = arith.constant 80 : i32
    %barrier3A_9 = arith.constant 0 : index
    tpu.barrier barrier_id(%barrier3A_9)
    %mul3A_10 = arith.constant 640 : i32
    %mul3A_11 = arith.muli %arg1, %mul3A_10 : i32
    "tpu.region"() ({
      %run_scoped3A = tpu.sem_alloc : memref<!tpu.dma_semaphore, #tpu.memory_space<semaphore_mem>>
      %dma_start3A = tpu.memref_slice %arg6[%mul3A_11] : memref<10240xf32, #tpu.memory_space<vmem_shared>> -> memref<640xf32, #tpu.memory_space<vmem_shared>>
      %dma_start3A_17 = tpu.memref_slice %arg6[%mul3A_11] : memref<10240xf32, #tpu.memory_space<vmem_shared>> -> memref<640xf32, #tpu.memory_space<vmem_shared>>
      tpu.enqueue_dma source(%dma_start3A_17 : memref<640xf32, #tpu.memory_space<vmem_shared>>) target(%arg9 : memref<640xf32, #tpu.memory_space<vmem>>) target_semaphore(%run_scoped3A : memref<!tpu.dma_semaphore, #tpu.memory_space<semaphore_mem>>)
      %dma_wait3A = tpu.memref_slice %arg6[%mul3A_11] : memref<10240xf32, #tpu.memory_space<vmem_shared>> -> memref<640xf32, #tpu.memory_space<vmem_shared>>
      %dma_wait3A_18 = tpu.memref_slice %arg6[%mul3A_11] : memref<10240xf32, #tpu.memory_space<vmem_shared>> -> memref<640xf32, #tpu.memory_space<vmem_shared>>
      tpu.wait_dma2 semaphore(%run_scoped3A : memref<!tpu.dma_semaphore, #tpu.memory_space<semaphore_mem>>) src(%dma_wait3A_18 : memref<640xf32, #tpu.memory_space<vmem_shared>>) dst(%arg9 : memref<640xf32, #tpu.memory_space<vmem>>)
      tpu.yield
    }) : () -> ()
    %mul3A_12 = arith.constant 10240 : i32
    %mul3A_13 = arith.muli %arg0, %mul3A_12 : i32
    %mul3A_14 = arith.constant 640 : i32
    %mul3A_15 = arith.muli %arg1, %mul3A_14 : i32
    %add3A_16 = arith.addi %mul3A_13, %mul3A_15 : i32
    "tpu.region"() ({
      %run_scoped3A = tpu.sem_alloc : memref<!tpu.dma_semaphore, #tpu.memory_space<semaphore_mem>>
      %dma_start3A = tpu.memref_slice %arg5[%add3A_16] : memref<20480xf32, #tpu.memory_space<hbm>> -> memref<640xf32, #tpu.memory_space<hbm>>
      %dma_start3A_17 = tpu.memref_slice %arg5[%add3A_16] : memref<20480xf32, #tpu.memory_space<hbm>> -> memref<640xf32, #tpu.memory_space<hbm>>
      tpu.enqueue_dma source(%arg9 : memref<640xf32, #tpu.memory_space<vmem>>) target(%dma_start3A_17 : memref<640xf32, #tpu.memory_space<hbm>>) target_semaphore(%run_scoped3A : memref<!tpu.dma_semaphore, #tpu.memory_space<semaphore_mem>>)
      %dma_wait3A = tpu.memref_slice %arg5[%add3A_16] : memref<20480xf32, #tpu.memory_space<hbm>> -> memref<640xf32, #tpu.memory_space<hbm>>
      %dma_wait3A_18 = tpu.memref_slice %arg5[%add3A_16] : memref<20480xf32, #tpu.memory_space<hbm>> -> memref<640xf32, #tpu.memory_space<hbm>>
      tpu.wait_dma2 semaphore(%run_scoped3A : memref<!tpu.dma_semaphore, #tpu.memory_space<semaphore_mem>>) src(%arg9 : memref<640xf32, #tpu.memory_space<vmem>>) dst(%dma_wait3A_18 : memref<640xf32, #tpu.memory_space<hbm>>)
      tpu.yield
    }) : () -> ()
    return
  }
}

module attributes {stable_mosaic.version = 14 : i64} {
  func.func @_mm_body(%arg0: i32, %arg1: memref<512x128xf32, #tpu.memory_space<vmem>>, %arg2: memref<128x128xf32, #tpu.memory_space<vmem>>, %arg3: memref<2x512x1xf32, #tpu.memory_space<vmem>>, %arg4: memref<512x128xf32, #tpu.memory_space<vmem>>, %arg5: memref<512x1xf32, #tpu.memory_space<vmem>>) attributes {dimension_semantics = [#tpu.dimension_semantics<arbitrary>], iteration_bounds = array<i64: 20>, scalar_prefetch = 0 : i64, scratch_operands = 0 : i64, tpu.core_type = #tpu.core_type<tc>, window_params = [{transform_indices = @transform_0, window_bounds = array<i64: 512, 128>}, {pipeline_mode = #tpu.pipeline_mode<synchronous>, transform_indices = @transform_1, window_bounds = array<i64: 128, 128>}, {transform_indices = @transform_2, window_bounds = array<i64: 2, 512, 1>}, {transform_indices = @transform_3, window_bounds = array<i64: 512, 128>}, {transform_indices = @transform_4, window_bounds = array<i64: 512, 1>}]} {
    %get3A = arith.constant 0 : index
    %get3A_0 = arith.constant 0 : index
    %get3A_1 = vector.load %arg1[%get3A, %get3A_0] : memref<512x128xf32, #tpu.memory_space<vmem>>, vector<512x128xf32>
    %get3A_2 = arith.constant 0 : index
    %get3A_3 = arith.constant 0 : index
    %get3A_4 = vector.load %arg2[%get3A_2, %get3A_3] : memref<128x128xf32, #tpu.memory_space<vmem>>, vector<128x128xf32>
    %dot_general3A = arith.constant dense<0.000000e+00> : vector<512x128xf32>
    %dot_general3A_5 = tpu.matmul %get3A_1, %get3A_4, %dot_general3A {dimension_numbers = #tpu.dot_dimension_numbers<[1], [0], [0], [1], [0, 0, 1, 1], [], []>, transpose_lhs_hint = false} : vector<512x128xf32>, vector<128x128xf32>, vector<512x128xf32> -> vector<512x128xf32>
    %get3A_6 = arith.constant 0 : index
    %get3A_7 = arith.constant 0 : index
    %get3A_8 = arith.constant 0 : index
    %get3A_9 = vector.load %arg3[%get3A_6, %get3A_7, %get3A_8] : memref<2x512x1xf32, #tpu.memory_space<vmem>>, vector<1x512x1xf32>
    %get3A_10 = vector.shape_cast %get3A_9 : vector<1x512x1xf32> to vector<512x1xf32>
    %get3A_11 = arith.constant 1 : index
    %get3A_12 = arith.constant 0 : index
    %get3A_13 = arith.constant 0 : index
    %get3A_14 = vector.load %arg3[%get3A_11, %get3A_12, %get3A_13] : memref<2x512x1xf32, #tpu.memory_space<vmem>>, vector<1x512x1xf32>
    %get3A_15 = vector.shape_cast %get3A_14 : vector<1x512x1xf32> to vector<512x1xf32>
    %add3A = arith.addf %get3A_10, %get3A_15 : vector<512x1xf32>
    %add3A_16 = arith.constant 1.000000e+00 : f32
    %add3A_17 = vector.broadcast %add3A_16 : f32 to vector<512x1xf32>
    %add3A_18 = arith.addf %add3A, %add3A_17 : vector<512x1xf32>
    %rsqrt3A = math.rsqrt %add3A_18 : vector<512x1xf32>
    %mul3A = vector.broadcast %rsqrt3A : vector<512x1xf32> to vector<512x128xf32>
    %mul3A_19 = arith.mulf %dot_general3A_5, %mul3A : vector<512x128xf32>
    %swap3A = arith.constant 0 : index
    %swap3A_20 = arith.constant 0 : index
    %swap3A_21 = vector.load %arg4[%swap3A, %swap3A_20] : memref<512x128xf32, #tpu.memory_space<vmem>>, vector<512x128xf32>
    tpu.vector_store %arg4[%swap3A, %swap3A_20], %mul3A_19 {strides = array<i32>} : memref<512x128xf32, #tpu.memory_space<vmem>>, vector<512x128xf32>,
    %swap3A_22 = arith.constant 0 : index
    %swap3A_23 = arith.constant 0 : index
    %swap3A_24 = vector.load %arg5[%swap3A_22, %swap3A_23] : memref<512x1xf32, #tpu.memory_space<vmem>>, vector<512x1xf32>
    tpu.vector_store %arg5[%swap3A_22, %swap3A_23], %rsqrt3A {strides = array<i32>} : memref<512x1xf32, #tpu.memory_space<vmem>>, vector<512x1xf32>,
    return
  }
  func.func @transform_0(%arg0: i32) -> (i32, i32) {
    %c0_i32 = arith.constant 0 : i32
    %c0_i32_0 = arith.constant 0 : i32
    return %arg0, %c0_i32 : i32, i32
  }
  func.func @transform_1(%arg0: i32) -> (i32, i32) {
    %c0_i32 = arith.constant 0 : i32
    %c0_i32_0 = arith.constant 0 : i32
    %c0_i32_1 = arith.constant 0 : i32
    return %c0_i32, %c0_i32_0 : i32, i32
  }
  func.func @transform_2(%arg0: i32) -> (i32, i32, i32) {
    %c0_i32 = arith.constant 0 : i32
    %c0_i32_0 = arith.constant 0 : i32
    %c0_i32_1 = arith.constant 0 : i32
    return %c0_i32, %arg0, %c0_i32_0 : i32, i32, i32
  }
  func.func @transform_3(%arg0: i32) -> (i32, i32) {
    %c0_i32 = arith.constant 0 : i32
    %c0_i32_0 = arith.constant 0 : i32
    return %arg0, %c0_i32 : i32, i32
  }
  func.func @transform_4(%arg0: i32) -> (i32, i32) {
    %c0_i32 = arith.constant 0 : i32
    %c0_i32_0 = arith.constant 0 : i32
    return %arg0, %c0_i32 : i32, i32
  }
}

module attributes {stable_mosaic.version = 14 : i64} {
  func.func @_final_body(%arg0: i32, %arg1: memref<2x512x128xf32, #tpu.memory_space<vmem>>, %arg2: memref<512x128xf32, #tpu.memory_space<vmem>>, %arg3: memref<512x1xf32, #tpu.memory_space<vmem>>, %arg4: memref<512x128xf32, #tpu.memory_space<vmem>>, %arg5: memref<1x128xf32, #tpu.memory_space<vmem>>, %arg6: memref<1x128xf32, #tpu.memory_space<vmem>>, %arg7: memref<1x128xf32, #tpu.memory_space<vmem>>, %arg8: memref<512x128xf32, #tpu.memory_space<vmem>>) attributes {dimension_semantics = [#tpu.dimension_semantics<arbitrary>], iteration_bounds = array<i64: 20>, scalar_prefetch = 0 : i64, scratch_operands = 0 : i64, tpu.core_type = #tpu.core_type<tc>, window_params = [{transform_indices = @transform_0, window_bounds = array<i64: 2, 512, 128>}, {transform_indices = @transform_1, window_bounds = array<i64: 512, 128>}, {transform_indices = @transform_2, window_bounds = array<i64: 512, 1>}, {transform_indices = @transform_3, window_bounds = array<i64: 512, 128>}, {pipeline_mode = #tpu.pipeline_mode<synchronous>, transform_indices = @transform_4, window_bounds = array<i64: 1, 128>}, {pipeline_mode = #tpu.pipeline_mode<synchronous>, transform_indices = @transform_5, window_bounds = array<i64: 1, 128>}, {pipeline_mode = #tpu.pipeline_mode<synchronous>, transform_indices = @transform_6, window_bounds = array<i64: 1, 128>}, {transform_indices = @transform_7, window_bounds = array<i64: 512, 128>}]} {
    %get3A = arith.constant 0 : index
    %get3A_0 = arith.constant 0 : index
    %get3A_1 = arith.constant 0 : index
    %get3A_2 = vector.load %arg1[%get3A, %get3A_0, %get3A_1] : memref<2x512x128xf32, #tpu.memory_space<vmem>>, vector<1x512x128xf32>
    %get3A_3 = vector.shape_cast %get3A_2 : vector<1x512x128xf32> to vector<512x128xf32>
    %get3A_4 = arith.constant 1 : index
    %get3A_5 = arith.constant 0 : index
    %get3A_6 = arith.constant 0 : index
    %get3A_7 = vector.load %arg1[%get3A_4, %get3A_5, %get3A_6] : memref<2x512x128xf32, #tpu.memory_space<vmem>>, vector<1x512x128xf32>
    %get3A_8 = vector.shape_cast %get3A_7 : vector<1x512x128xf32> to vector<512x128xf32>
    %add3A = arith.addf %get3A_3, %get3A_8 : vector<512x128xf32>
    %get3A_9 = arith.constant 0 : index
    %get3A_10 = arith.constant 0 : index
    %get3A_11 = vector.load %arg2[%get3A_9, %get3A_10] : memref<512x128xf32, #tpu.memory_space<vmem>>, vector<512x128xf32>
    %add3A_12 = arith.addf %add3A, %get3A_11 : vector<512x128xf32>
    %get3A_13 = arith.constant 0 : index
    %get3A_14 = arith.constant 0 : index
    %get3A_15 = vector.load %arg3[%get3A_13, %get3A_14] : memref<512x1xf32, #tpu.memory_space<vmem>>, vector<512x1xf32>
    %mul3A = vector.broadcast %get3A_15 : vector<512x1xf32> to vector<512x128xf32>
    %mul3A_16 = arith.mulf %add3A_12, %mul3A : vector<512x128xf32>
    %get3A_17 = arith.constant 0 : index
    %get3A_18 = arith.constant 0 : index
    %get3A_19 = vector.load %arg5[%get3A_17, %get3A_18] : memref<1x128xf32, #tpu.memory_space<vmem>>, vector<1x128xf32>
    %add3A_20 = vector.broadcast %get3A_19 : vector<1x128xf32> to vector<512x128xf32>
    %add3A_21 = arith.addf %mul3A_16, %add3A_20 : vector<512x128xf32>
    %reduce_sum3A = arith.constant dense<0.000000e+00> : vector<512xf32>
    %reduce_sum3A_22 = vector.multi_reduction <add>, %add3A_21, %reduce_sum3A [1] : vector<512x128xf32> to vector<512xf32>
    %broadcast_in_dim3A = vector.shape_cast %reduce_sum3A_22 : vector<512xf32> to vector<512x1xf32>
    %div3A = arith.constant 1.280000e+02 : f32
    %div3A_23 = vector.broadcast %div3A : f32 to vector<512x1xf32>
    %div3A_24 = arith.divf %broadcast_in_dim3A, %div3A_23 : vector<512x1xf32>
    %sub3A = vector.broadcast %div3A_24 : vector<512x1xf32> to vector<512x128xf32>
    %sub3A_25 = arith.subf %add3A_21, %sub3A : vector<512x128xf32>
    %integer_pow3A = arith.mulf %sub3A_25, %sub3A_25 : vector<512x128xf32>
    %reduce_sum3A_26 = arith.constant dense<0.000000e+00> : vector<512xf32>
    %reduce_sum3A_27 = vector.multi_reduction <add>, %integer_pow3A, %reduce_sum3A_26 [1] : vector<512x128xf32> to vector<512xf32>
    %broadcast_in_dim3A_28 = vector.shape_cast %reduce_sum3A_27 : vector<512xf32> to vector<512x1xf32>
    %div3A_29 = arith.constant 1.280000e+02 : f32
    %div3A_30 = vector.broadcast %div3A_29 : f32 to vector<512x1xf32>
    %div3A_31 = arith.divf %broadcast_in_dim3A_28, %div3A_30 : vector<512x1xf32>
    %sub3A_32 = vector.broadcast %div3A_24 : vector<512x1xf32> to vector<512x128xf32>
    %sub3A_33 = arith.subf %add3A_21, %sub3A_32 : vector<512x128xf32>
    %add3A_34 = arith.constant 9.99999974E-6 : f32
    %add3A_35 = vector.broadcast %add3A_34 : f32 to vector<512x1xf32>
    %add3A_36 = arith.addf %div3A_31, %add3A_35 : vector<512x1xf32>
    %rsqrt3A = math.rsqrt %add3A_36 : vector<512x1xf32>
    %mul3A_37 = vector.broadcast %rsqrt3A : vector<512x1xf32> to vector<512x128xf32>
    %mul3A_38 = arith.mulf %sub3A_33, %mul3A_37 : vector<512x128xf32>
    %get3A_39 = arith.constant 0 : index
    %get3A_40 = arith.constant 0 : index
    %get3A_41 = vector.load %arg6[%get3A_39, %get3A_40] : memref<1x128xf32, #tpu.memory_space<vmem>>, vector<1x128xf32>
    %mul3A_42 = vector.broadcast %get3A_41 : vector<1x128xf32> to vector<512x128xf32>
    %mul3A_43 = arith.mulf %mul3A_38, %mul3A_42 : vector<512x128xf32>
    %get3A_44 = arith.constant 0 : index
    %get3A_45 = arith.constant 0 : index
    %get3A_46 = vector.load %arg7[%get3A_44, %get3A_45] : memref<1x128xf32, #tpu.memory_space<vmem>>, vector<1x128xf32>
    %add3A_47 = vector.broadcast %get3A_46 : vector<1x128xf32> to vector<512x128xf32>
    %add3A_48 = arith.addf %mul3A_43, %add3A_47 : vector<512x128xf32>
    %ge3A = arith.constant 0.000000e+00 : f32
    %ge3A_49 = vector.broadcast %ge3A : f32 to vector<512x128xf32>
    %ge3A_50 = arith.cmpf oge, %add3A_48, %ge3A_49 : vector<512x128xf32>
    %mul3A_51 = arith.constant 0.00999999977 : f32
    %mul3A_52 = vector.broadcast %mul3A_51 : f32 to vector<512x128xf32>
    %mul3A_53 = arith.mulf %mul3A_52, %add3A_48 : vector<512x128xf32>
    %select_n3A = arith.select %ge3A_50, %add3A_48, %mul3A_53 : vector<512x128xi1>, vector<512x128xf32>
    %get3A_54 = arith.constant 0 : index
    %get3A_55 = arith.constant 0 : index
    %get3A_56 = vector.load %arg4[%get3A_54, %get3A_55] : memref<512x128xf32, #tpu.memory_space<vmem>>, vector<512x128xf32>
    %add3A_57 = arith.addf %select_n3A, %get3A_56 : vector<512x128xf32>
    %swap3A = arith.constant 0 : index
    %swap3A_58 = arith.constant 0 : index
    %swap3A_59 = vector.load %arg8[%swap3A, %swap3A_58] : memref<512x128xf32, #tpu.memory_space<vmem>>, vector<512x128xf32>
    tpu.vector_store %arg8[%swap3A, %swap3A_58], %add3A_57 {strides = array<i32>} : memref<512x128xf32, #tpu.memory_space<vmem>>, vector<512x128xf32>,
    return
  }
  func.func @transform_0(%arg0: i32) -> (i32, i32, i32) {
    %c0_i32 = arith.constant 0 : i32
    %c0_i32_0 = arith.constant 0 : i32
    %c0_i32_1 = arith.constant 0 : i32
    return %c0_i32, %arg0, %c0_i32_0 : i32, i32, i32
  }
  func.func @transform_1(%arg0: i32) -> (i32, i32) {
    %c0_i32 = arith.constant 0 : i32
    %c0_i32_0 = arith.constant 0 : i32
    return %arg0, %c0_i32 : i32, i32
  }
  func.func @transform_2(%arg0: i32) -> (i32, i32) {
    %c0_i32 = arith.constant 0 : i32
    %c0_i32_0 = arith.constant 0 : i32
    return %arg0, %c0_i32 : i32, i32
  }
  func.func @transform_3(%arg0: i32) -> (i32, i32) {
    %c0_i32 = arith.constant 0 : i32
    %c0_i32_0 = arith.constant 0 : i32
    return %arg0, %c0_i32 : i32, i32
  }
  func.func @transform_4(%arg0: i32) -> (i32, i32) {
    %c0_i32 = arith.constant 0 : i32
    %c0_i32_0 = arith.constant 0 : i32
    %c0_i32_1 = arith.constant 0 : i32
    return %c0_i32, %c0_i32_0 : i32, i32
  }
  func.func @transform_5(%arg0: i32) -> (i32, i32) {
    %c0_i32 = arith.constant 0 : i32
    %c0_i32_0 = arith.constant 0 : i32
    %c0_i32_1 = arith.constant 0 : i32
    return %c0_i32, %c0_i32_0 : i32, i32
  }
  func.func @transform_6(%arg0: i32) -> (i32, i32) {
    %c0_i32 = arith.constant 0 : i32
    %c0_i32_0 = arith.constant 0 : i32
    %c0_i32_1 = arith.constant 0 : i32
    return %c0_i32, %c0_i32_0 : i32, i32
  }
  func.func @transform_7(%arg0: i32) -> (i32, i32) {
    %c0_i32 = arith.constant 0 : i32
    %c0_i32_0 = arith.constant 0 : i32
    return %arg0, %c0_i32 : i32, i32
  }
}

</mosaic_0001>

<sc_bundles>
// kernel: kernel.6.cloned.1.call-start
scs
__scs_entry_jumppad:
0x0: {  	(pc) =	sbr.rel $0x88, $3  }
0x1: {  	(tag) =	ssettag $0x0;
	lr =	simm.s32 $0x1  }
0x2: {  	[smem:$0x3F9B] =	sst lr;
	_ =	strace $0xD0000000  }
0x3: {  	_ = 	snop  }
0x4: {  	_ = 	snop  }
0x5: {  	_ = 	snop  }
0x6: {  	_ = 	snop  }
0x7: {  	_ = 	snop  }
__scs_overlays_trampoline_lowered:
0x8: {  	[smem:$0x3FAA] =	sst s0  }
0x9: {  	[smem:$0x3FAB] =	sst s1  }
0xa: {  	[smem:$0x3FAC] =	sst s2  }
0xb: {  	[smem:$0x3FAD] =	sst s3  }
0xc: {  	[smem:$0x3FAE] =	sst s4  }
0xd: {  	[smem:$0x3FAF] =	sst s5  }
0xe: {  	[smem:$0x3FB0] =	sst s6  }
0xf: {  	[smem:$0x3FB1] =	sst s7  }
0x10: {  	[smem:$0x3FB2] =	sst s8  }
0x11: {  	[smem:$0x3FB3] =	sst s9;
	s0 =	simm.s32 @!p0 $0x0  }
0x12: {  	s1 =	sld [smem:$0x3F99];
	s0 =	simm.s32 @p0 $0x1  }
0x13: {  	[smem:$0x3FB4] =	sst s0;
	s0 =	simm.s32 @!p1 $0x0  }
0x14: {  	s2 =	sld [smem:$0x3F98];
	s0 =	simm.s32 @p1 $0x1  }
0x15: {  	[smem:$0x3FB5] =	sst s0;
	s0 =	simm.s32 @!p2 $0x0  }
0x16: {  	s3 =	sld [smem:$0x3FDB];
	s0 =	simm.s32 @p2 $0x1  }
0x17: {  	s4 =	simm.s32 $0x1BF5;
	[smem:$0x3FB7] =	sst s0  }
0x18: {  	s0 =	sld [smem:$0x3F9A];
	_ =	swait.ge [sflag:s4], $0x0  }
0x19: {  	s7 =	sld [smem:$0x3F9B]  }
0x1a: {  	s8 =	sadd.s32 $0xFFFFE003, lr  }
0x1b: {  	s9 =	sadd.s32 $0xFFFFFEF7, lr;
	s5 =	simm.s32 $0xFFFFFFFF;
	p2 =	slt.u32 s8, $0xFFFFF086  }
0x1c: {  	p1 =	slt.u32 s9, $0xF7A;
	s5 =	simm.s32 @!p2 $0x0  }
0x1d: {  	s5 =	simm.s32 @p1 $0x1;
	p0 =	seq.s32 s7, s2  }
0x1e: {  	s7 =	smul.u32 @!p0 $0xF7A, s2;
	p2 =	seq.s32 @!p0 s5, $0x0  }
0x1f: {  	s9 =	smul.u32 $0xF7A, s1;
	s8 =	simm.s32 @!p0 $0x1BF5;
	p2 =	por !p2, p0  }
0x20: {  	[sflag:s8] =	ssyncset.s32 @!p0 $0xFFFFF086;
	s6 =	sadd.s32 @!p0 s3, s7;
	s7 =	simm.s32 @!p0 $0x108  }
0x21: {  	s3 =	sadd.s32 s3, s9;
	s6 =	sadd.s32 @!p0 $0x88, s6;
	s7 =	simm.s32 @p2 $0x1082  }
0x22: {  	[simem:s7], [sflag:s8] =	dma.local @!p0 [hbm:s6], $0xF7A  }
0x23: {  	s9 =	sor.u32 $0xD0000000, s2;
	s6 =	simm.s32 $0x108;
	_ =	swait.ge @!p0 [sflag:s8], $0x0  }
0x24: {  	s3 =	sadd.s32 $0x88, s3;
	s6 =	simm.s32 @!p1 $0x1082;
	[sflag:s4] =	ssyncset.s32 $0xFFFFF086  }
0x25: {  	[simem:s6], [sflag:s4] =	dma.local [hbm:s3], $0xF7A  }
0x26: {  	[smem:$0x3F9B] =	sst s1;
	(tag) =	ssettag s2;
	_ =	strace s9  }
0x27: {  	s1 =	sld [smem:$0x3FAB]  }
0x28: {  	s2 =	sld [smem:$0x3FAC]  }
0x29: {  	s4 =	sld [smem:$0x3FAE]  }
0x2a: {  	p0 =	seq.s32 s5, $0x0;
	s5 =	sld [smem:$0x3FAF]  }
0x2b: {  	s6 =	sld [smem:$0x3FB0]  }
0x2c: {  	s7 =	sld [smem:$0x3FB1]  }
0x2d: {  	s3 =	simm.s32 $0x108;
	s8 =	sld [smem:$0x3FB2]  }
0x2e: {  	s3 =	simm.s32 @!p0 $0x1082;
	s9 =	sld [smem:$0x3FB3]  }
0x2f: {  	lr =	sadd.s32 s0, s3;
	s0 =	sld [smem:$0x3FAA]  }
0x30: {  	s3 =	sld [smem:$0x3FAD]  }
0x31: {  	[smem:$0x3FB6] =	sst s10  }
0x32: {  	s10 =	sld [smem:$0x3FB4];
	_ =	sdelay $0x3  }
0x33: {  	p0 =	seq.s32 s10, $0x1;
	s10 =	sld [smem:$0x3FB6];
	_ =	sdelay $0x3  }
0x34: {  	[smem:$0x3FB6] =	sst s10  }
0x35: {  	s10 =	sld [smem:$0x3FB5];
	_ =	sdelay $0x3  }
0x36: {  	p1 =	seq.s32 s10, $0x1;
	s10 =	sld [smem:$0x3FB6];
	_ =	sdelay $0x3  }
0x37: {  	[smem:$0x3FB6] =	sst s10  }
0x38: {  	s10 =	sld [smem:$0x3FB7]  }
0x39: {  	_ = 	snop;
	(pc) =	sbr.ind lr, $3  }
0x3a: {  	_ = 	snop  }
0x3b: {  	_ = 	snop  }
0x3c: {  	p2 =	seq.s32 s10, $0x1;
	s10 =	sld [smem:$0x3FB6]  }
0x3d: {  	_ =	shalt  }
0x3e: {  	_ =	shalt  }
0x3f: {  	_ =	shalt  }
0x40: {  	_ =	shalt  }
0x41: {  	_ =	shalt  }
0x42: {  	_ =	shalt  }
0x43: {  	_ =	shalt  }
0x44: {  	_ =	shalt  }
0x45: {  	_ =	shalt  }
0x46: {  	_ =	shalt  }
0x47: {  	_ =	shalt  }
0x48: {  	_ =	shalt  }
0x49: {  	_ =	shalt  }
0x4a: {  	_ =	shalt  }
0x4b: {  	_ =	shalt  }
0x4c: {  	_ =	shalt  }
0x4d: {  	_ =	shalt  }
0x4e: {  	_ =	shalt  }
0x4f: {  	_ =	shalt  }
0x50: {  	_ =	shalt  }
0x51: {  	_ =	shalt  }
0x52: {  	_ =	shalt  }
0x53: {  	_ =	shalt  }
0x54: {  	_ =	shalt  }
0x55: {  	_ =	shalt  }
0x56: {  	_ =	shalt  }
0x57: {  	_ =	shalt  }
0x58: {  	_ =	shalt  }
0x59: {  	_ =	shalt  }
0x5a: {  	_ =	shalt  }
0x5b: {  	_ =	shalt  }
0x5c: {  	_ =	shalt  }
0x5d: {  	_ =	shalt  }
0x5e: {  	_ =	shalt  }
0x5f: {  	_ =	shalt  }
0x60: {  	_ =	shalt  }
0x61: {  	_ =	shalt  }
0x62: {  	_ =	shalt  }
0x63: {  	_ =	shalt  }
0x64: {  	_ =	shalt  }
0x65: {  	_ =	shalt  }
0x66: {  	_ =	shalt  }
0x67: {  	_ =	shalt  }
0x68: {  	_ =	shalt  }
0x69: {  	_ =	shalt  }
0x6a: {  	_ =	shalt  }
0x6b: {  	_ =	shalt  }
0x6c: {  	_ =	shalt  }
0x6d: {  	_ =	shalt  }
0x6e: {  	_ =	shalt  }
0x6f: {  	_ =	shalt  }
0x70: {  	_ =	shalt  }
0x71: {  	_ =	shalt  }
0x72: {  	_ =	shalt  }
0x73: {  	_ =	shalt  }
0x74: {  	_ =	shalt  }
0x75: {  	_ =	shalt  }
0x76: {  	_ =	shalt  }
0x77: {  	_ =	shalt  }
0x78: {  	_ =	shalt  }
0x79: {  	_ =	shalt  }
0x7a: {  	_ =	shalt  }
0x7b: {  	_ =	shalt  }
0x7c: {  	_ =	shalt  }
0x7d: {  	_ =	shalt  }
0x7e: {  	_ =	shalt  }
0x7f: {  	_ =	shalt  }
0x80: {  	_ =	shalt  }
0x81: {  	_ =	shalt  }
0x82: {  	_ =	shalt  }
0x83: {  	_ =	shalt  }
0x84: {  	_ =	shalt  }
0x85: {  	_ =	shalt  }
0x86: {  	_ =	shalt  }
0x87: {  	_ =	shalt  }
.Lfunc_end0:
.L_simem_size_0:
called_computation_lowered:
.L_overlay_start_0:
0x88: {  	s2 =	sld [smem:$0x3FD9]  }
0x89: {  	s3 =	sld [smem:$0x3FFE];
	_ =	sdelay $0x1  }
0x8a: {  	s1 =	srdreg.scid  }
0x8b: {  	s0 =	sand.u32 $0x1, s1  }
0x8c: {  	s17 =	sshll.u32 s0, $0xA;
	s2 =	sadd.s32 s3, s2  }
0x8d: {  	s2 =	sadd.s32 s2, s17  }
0x8e: {  	[smem:$0x3FC2] =	sst s2  }
0x8f: {  	_ = 	snop  }
0x90: {  	s2 =	sld [smem:$0x3FD0];
	(tm) =	ssettm $0x1  }
0x91: {  	s18 =	sld [smem:$0x3FFB];
	_ =	sdelay $0x3  }
0x92: {  	_ =	strace s18  }
0x93: {  	s3 =	sld [smem:$0x3FFC];
	_ =	sdelay $0x3  }
0x94: {  	_ =	strace s3  }
0x95: {  	s3 =	sld [smem:$0x3FFD];
	_ =	sdelay $0x3  }
0x96: {  	_ =	strace s3  }
0x97: {  	_ =	strace $0x8FFFFFFF  }
0x98: {  	s19 =	sld [smem:$0x3FDB];
	_ =	sdelay $0x1  }
0x99: {  	s4 =	simm.s32 $_scs_section_size  }
0x9a: {  	s5 =	simm.s32 $_size__tile_overlayer_lowered;
	s6 =	simm.s32 $_tile_overlayer_lowered  }
0x9b: {  	s22 =	simm.s32 $0x1BFF;
	s21 =	sshll.u32 s6, $0x1;
	s3 =	sadd.s32 s4, s19  }
0x9c: {  	s7 =	simm.s32 $0x0;
	s20 =	sshll.u32 s5, $0x1;
	s5 =	sadd.s32 s21, s3  }
0x9d: {  	[timem:s7], [sflag:s22] =	dma.local [hbm:s5], s20  }
0x9e: {  	_ =	swait.ge [sflag:s22], s20  }
0x9f: {  	s4 =	ssub.s32 $0x0, s20;
	[sflag:s22] =	ssyncset.done $0x0  }
0xa0: {  	[sflag:s22] =	ssyncadd.s32 s4;
	_ =	sdelay $0x1  }
0xa1: {  	s23 =	simm.s32 $0x1B8B  }
0xa2: {  	_ =	swait.ge [sflag:s23], $0x1  }
0xa3: {  	[sflag:s23] =	ssyncset.done $0x0  }
0xa4: {  	s25 =	simm.s32 $0x1B8E;
	s24 =	sld [smem:$0x3FFE];
	[sflag:s23] =	ssyncadd.s32 $0xFFFFFFFF  }
0xa5: {  	s26 =	simm.s32 $execute0_lowered;
	[smem:$0x3FD2] =	sst s25  }
0xa6: {  	s5 =	sshll.u32 s26, $0x1;
	_ =	strace $0x80000046;
	[dreg:$0x1] =	wrdreg $0xFFFFFFFF  }
0xa7: {  	s28 =	simm.s32 $_size_execute0_lowered;
	s3 =	sadd.s32 s3, s5;
	[dreg:$0x0] =	wrdreg $0x0  }
0xa8: {  	s5 =	sshll.u32 s28, $0x1;
	[dreg:$0x2] =	wrdreg s3  }
0xa9: {  	[dreg:$0x3] =	wrdreg s5  }
0xaa: {  	[dreg:$0x4] =	wrdreg $0xC0  }
0xab: {  	_ =	task [dreg:s7], $0x5FFFF  }
0xac: {  	[dreg:$0x1] =	wrdreg $0xFFFFFFFF  }
0xad: {  	[dreg:$0x0] =	wrdreg $0x60  }
0xae: {  	[dreg:$0x2] =	wrdreg s24  }
0xaf: {  	[dreg:$0x3] =	wrdreg s2  }
0xb0: {  	[dreg:$0x4] =	wrdreg $0x0  }
0xb1: {  	[dreg:$0x5] =	wrdreg $0x9  }
0xb2: {  	_ =	task.clear_ibuf [dreg:s7], $0x6FFFF;
	_ =	strace $0x90000046  }
0xb3: {  	s29 =	simm.s32 $0x9;
	_ =	strace $0x80000048  }
0xb4: {  	_ =	swait.ge [sflag:s29], $0x1  }
0xb5: {  	[sflag:s29] =	ssyncadd.s32 $0xFFFFFFFF  }
0xb6: {  	_ =	strace $0x90000048  }
0xb7: {  	_ =	sfence  }
0xb8: {  	s30 =	sld [smem:$0x0];
	_ =	sdelay $0x2  }
0xb9: {  	s31 =	sshll.u32 s1, $0xD;
	s1 =	sshrl.u32 s1, $0x2  }
0xba: {  	s3 =	sand.u32 $0x4000, s31;
	s1 =	sadd.s32 s1, s30  }
0xbb: {  	s0 =	sor.u32 s3, s0;
	s1 =	sshll.u32 s1, $0x11  }
0xbc: {  	s0 =	sor.u32 s1, s0  }
0xbd: {  	s0 =	sadd.s32 $0x8F2B, s0  }
0xbe: {  	[sflag:s0] =	ssyncadd.remote.s32 $0x1  }
0xbf: {  	_ =	sfence.sel $0xFFFF  }
0xc0: {  	[dreg:$0x0] =	wrdreg $0xFFFFFFFF;
	(pc) =	sbr.abs _section_cstart, $3  }
0xc1: {  	[dreg:$0x1] =	wrdreg $0xFFFFFFFF  }
0xc2: {  	_ =	task.clear_ibuf [dreg:s7], $0x2FFFF;
	_ =	strace $0x9FFFFFFF  }
0xc3: {  	(tm) =	ssettm $0x7FFFFFFF  }
tec
execute0_lowered:
.L_overlay_start_1:
0x0: {  	(tag) =	ssettag $0x1  }
0x1: {  	s5 =	rddreg [dreg:$0x0]  }
0x2: {  	s0 =	srdreg.scid;
	s8 =	rddreg [dreg:$0x1]  }
0x3: {  	s2 =	rddreg [dreg:$0x2];
	s3 =	simm.s32 $0x0;
	s12 =	simm.s32 $0x2A80  }
0x4: {  	s13 =	simm.s32 $0x280;
	s6 =	sand.u32 $0x1, s0;
	s0 =	stileid.u32  }
0x5: {  	s14 =	simm.s32 $0x80;
	s15 =	simm.s32 $0x0;
	s7 =	smul.u32 $0x280, s0  }
0x6: {  	[smem:$0x7FF] =	sst s3;
	s1 =	sshll.u32 s6, $0x4;
	s9 =	smul.u32 $0x2800, s6  }
0x7: {  	s6 =	ssub.s32 $0x2, s6;
	s4 =	sor.u32 s0, s1;
	s1 =	rddreg [dreg:$0x3]  }
0x8: {  	_ =	strace $0x80000047;
	s11 =	sshrl.u32 s6, $0x1;
	s4 =	smul.u32 $0x500, s4  }
0x9: {  	s9 =	sadd.s32 s7, s9;
	s11 =	ssub.s32 s6, s11;
	s6 =	sadd.s32 s7, s2  }
0xa: {  	s9 =	sshrl.u32 s9, $0x3;
	s10 =	sadd.s32 s4, s5;
	s4 =	sadd.s32 $0x16000, s5  }
0xb: {  	s5 =	sadd.s32 $0x15E00, s5;
	s8 =	sadd.s32 s8, s9;
	s9 =	smax.u32 s11, $0x1  }
0xc: {  	s11 =	simm.s32 $0x1;
	s7 =	sadd.s32 $0xBE00, s10;
	s10 =	simm.s32 $0x2B00  }
.LBB2_1:
0xd: {  	[tilespmem:s10], [sflag:$0x1] =	stream.linear.gather [hbm4b:s4+s3], $0x280, $0x38;
	[tilespmem:$0x2D80] =	vst v63  }
0xe: {  	_ =	swait.ge [sflag:s11], $0x280  }
0xf: {  	[sflag:s11] =	ssyncset.done $0x0  }
0x10: {  	[sflag:s11] =	ssyncadd.s32 $0xFFFFFD80  }
0x11: {  	[spmem:s6] =	stream.linear.scatter [tilespmem:s10], [sflag:$0x1], $0x280, $0x38;
	[tilespmem:$0x2D80] =	vst v63  }
0x12: {  	_ =	swait.ge [sflag:s11], $0x280  }
0x13: {  	[sflag:s11] =	ssyncset.done $0x0  }
0x14: {  	[sflag:s11] =	ssyncadd.s32 $0xFFFFFD80  }
0x15: {  	[tilespmem:s12], [sflag:$0x1] =	stream.linear.gather [hbm4b:s5+s3], $0x80, $0x38;
	[tilespmem:$0x2D80] =	vst v63  }
0x16: {  	_ =	swait.ge [sflag:s11], $0x80  }
0x17: {  	[sflag:s11] =	ssyncset.done $0x0  }
0x18: {  	[sflag:s11] =	ssyncadd.s32 $0xFFFFFF80  }
0x19: {  	[tilespmem:s13], [sflag:$0x1] =	stream.linear.gather [hbm4b:s7+s3], $0x2800, $0x38;
	[tilespmem:$0x2D80] =	vst v63  }
0x1a: {  	_ =	swait.ge [sflag:s11], $0x2800  }
0x1b: {  	[sflag:s11] =	ssyncset.done $0x0  }
0x1c: {  	[sflag:s11] =	ssyncadd.s32 $0xFFFFD800  }
0x1d: {  	s16 =	simm.s32 $0x280;
	[bflag:$0x0] =	sbarrier.arrive $0xFFFF  }
0x1e: {  	[spmem:s2] =	stream.indirect.scatter.add.f32 [tilespmem:s12], [sflag:$0x1], $0x1, s16, s14, $0xb8;
	[tilespmem:$0x2D80] =	vst v63  }
0x1f: {  	s16 =	simm.s32 $0x200;
	_ =	swait.ge [sflag:s11], $0x80  }
.LBB2_2:
0x20: {  	s17 =	sshra.s32 s16, $0x2;
	[sflag:s11] =	ssyncset.done $0x0;
	p0 =	sne.s32 s16, $0x9E00  }
.Ltmp0:
0x21: {  	s17 =	sadd.s32 $0x280, s17;
	[sflag:s11] =	ssyncadd.s32 $0xFFFFFF80;
	(pc) =	sbr.rel @p0 .LBB2_2-.Ltmp0, $3  }
0x22: {  	[spmem:s2] =	stream.indirect.scatter.add.f32 [tilespmem:s12], [sflag:$0x1], $0x1, s17, s14, $0xb8;
	[tilespmem:$0x2D80] =	vst v63  }
0x23: {  	s16 =	sadd.s32 $0x200, s16;
	_ =	sdelay $0x1  }
0x24: {  	_ =	swait.ge [sflag:s11], $0x80  }
0x25: {  	[sflag:s11] =	ssyncset.done $0x0  }
0x26: {  	[sflag:s11] =	ssyncadd.s32 $0xFFFFFF80  }
0x27: {  	[bflag:$0x0] =	sbarrier.arrive $0xFFFF  }
0x28: {  	[tilespmem:s10], [sflag:$0x1] =	stream.linear.gather [spmem:s6], $0x280, $0x38;
	[tilespmem:$0x2D80] =	vst v63  }
0x29: {  	s15 =	sadd.s32 $0x1, s15;
	_ =	swait.ge [sflag:s11], $0x280  }
0x2a: {  	p0 =	sne.s32 s15, s9;
	[sflag:s11] =	ssyncset.done $0x0  }
.Ltmp1:
0x2b: {  	[sflag:s11] =	ssyncadd.s32 $0xFFFFFD80;
	(pc) =	sbr.rel @p0 .LBB2_1-.Ltmp1, $4  }
0x2c: {  	[hbm4b:s8+s3] =	stream.linear.scatter [tilespmem:s10], [sflag:$0x1], $0x280, $0x38;
	[tilespmem:$0x2D80] =	vst v63  }
0x2d: {  	_ =	swait.ge [sflag:s11], $0x280  }
0x2e: {  	[sflag:s11] =	ssyncset.done $0x0  }
0x2f: {  	[sflag:s11] =	ssyncadd.s32 $0xFFFFFD80  }
0x30: {  	_ =	sfence.sel $0x180000  }
0x31: {  	[bflag:$0x0] =	sbarrier.arrive $0xFFFF  }
0x32: {  	p0 =	sne.s32 s0, $0x0;
	_ =	strace $0x90000047  }
0x33: {  	s0 =	sadd.s32 @!p0 $0x100000, s1;
	[bflag:$0x2] =	sbarrier.arrive $0xFFFF  }
0x34: {  	[sflag:s0] =	ssyncadd.tile.s32 @!p0 $0x1;
	_ =	shalt  }
.Lfunc_end2:
_tile_overlayer_lowered:
.L_overlay_start_2:
0x35: {  	(tag) =	ssettag $0x2  }
0x36: {  	s0 =	rddreg [dreg:$0x0];
	s2 =	stileid.u32  }
0x37: {  	s1 =	rddreg [dreg:$0x1];
	p0 =	sne.s32 s2, $0x0  }
0x38: {  	s3 =	rddreg [dreg:$0x2];
	[bflag:$0x3] =	sbarrier.arrive $0xFFFF;
	s2 =	simm.s32 @!p0 $0x1C01  }
0x39: {  	[timem:s3], [sflag:s2] =	dma.local @!p0 [hbm:s0], s1  }
0x3a: {  	s0 =	simm.s32 @!p0 $0x1  }
0x3b: {  	_ =	swait.ge @!p0 [sflag:s0], s1  }
0x3c: {  	s1 =	ssub.s32 @!p0 $0x0, s1;
	[sflag:s0] =	ssyncset.done @!p0 $0x0  }
0x3d: {  	[sflag:s0] =	ssyncadd.s32 @!p0 s1  }
0x3e: {  	[bflag:$0x3] =	sbarrier.arrive $0xFFFF  }
0x3f: {  	_ =	shalt  }

// kernel: kernel.9.cloned.1.call-start
scs
__scs_entry_jumppad:
0x0: {  	(pc) =	sbr.rel $0x88, $3  }
0x1: {  	(tag) =	ssettag $0x0;
	lr =	simm.s32 $0x1  }
0x2: {  	[smem:$0x3F9B] =	sst lr;
	_ =	strace $0xD0000000  }
0x3: {  	_ = 	snop  }
0x4: {  	_ = 	snop  }
0x5: {  	_ = 	snop  }
0x6: {  	_ = 	snop  }
0x7: {  	_ = 	snop  }
__scs_overlays_trampoline_lowered:
0x8: {  	[smem:$0x3FAA] =	sst s0  }
0x9: {  	[smem:$0x3FAB] =	sst s1  }
0xa: {  	[smem:$0x3FAC] =	sst s2  }
0xb: {  	[smem:$0x3FAD] =	sst s3  }
0xc: {  	[smem:$0x3FAE] =	sst s4  }
0xd: {  	[smem:$0x3FAF] =	sst s5  }
0xe: {  	[smem:$0x3FB0] =	sst s6  }
0xf: {  	[smem:$0x3FB1] =	sst s7  }
0x10: {  	[smem:$0x3FB2] =	sst s8  }
0x11: {  	[smem:$0x3FB3] =	sst s9;
	s0 =	simm.s32 @!p0 $0x0  }
0x12: {  	s1 =	sld [smem:$0x3F99];
	s0 =	simm.s32 @p0 $0x1  }
0x13: {  	[smem:$0x3FB4] =	sst s0;
	s0 =	simm.s32 @!p1 $0x0  }
0x14: {  	s2 =	sld [smem:$0x3F98];
	s0 =	simm.s32 @p1 $0x1  }
0x15: {  	[smem:$0x3FB5] =	sst s0;
	s0 =	simm.s32 @!p2 $0x0  }
0x16: {  	s3 =	sld [smem:$0x3FDB];
	s0 =	simm.s32 @p2 $0x1  }
0x17: {  	s4 =	simm.s32 $0x1BF5;
	[smem:$0x3FB7] =	sst s0  }
0x18: {  	s0 =	sld [smem:$0x3F9A];
	_ =	swait.ge [sflag:s4], $0x0  }
0x19: {  	s7 =	sld [smem:$0x3F9B]  }
0x1a: {  	s8 =	sadd.s32 $0xFFFFE003, lr  }
0x1b: {  	s9 =	sadd.s32 $0xFFFFFEF7, lr;
	s5 =	simm.s32 $0xFFFFFFFF;
	p2 =	slt.u32 s8, $0xFFFFF086  }
0x1c: {  	p1 =	slt.u32 s9, $0xF7A;
	s5 =	simm.s32 @!p2 $0x0  }
0x1d: {  	s5 =	simm.s32 @p1 $0x1;
	p0 =	seq.s32 s7, s2  }
0x1e: {  	s7 =	smul.u32 @!p0 $0xF7A, s2;
	p2 =	seq.s32 @!p0 s5, $0x0  }
0x1f: {  	s9 =	smul.u32 $0xF7A, s1;
	s8 =	simm.s32 @!p0 $0x1BF5;
	p2 =	por !p2, p0  }
0x20: {  	[sflag:s8] =	ssyncset.s32 @!p0 $0xFFFFF086;
	s6 =	sadd.s32 @!p0 s3, s7;
	s7 =	simm.s32 @!p0 $0x108  }
0x21: {  	s3 =	sadd.s32 s3, s9;
	s6 =	sadd.s32 @!p0 $0x88, s6;
	s7 =	simm.s32 @p2 $0x1082  }
0x22: {  	[simem:s7], [sflag:s8] =	dma.local @!p0 [hbm:s6], $0xF7A  }
0x23: {  	s9 =	sor.u32 $0xD0000000, s2;
	s6 =	simm.s32 $0x108;
	_ =	swait.ge @!p0 [sflag:s8], $0x0  }
0x24: {  	s3 =	sadd.s32 $0x88, s3;
	s6 =	simm.s32 @!p1 $0x1082;
	[sflag:s4] =	ssyncset.s32 $0xFFFFF086  }
0x25: {  	[simem:s6], [sflag:s4] =	dma.local [hbm:s3], $0xF7A  }
0x26: {  	[smem:$0x3F9B] =	sst s1;
	(tag) =	ssettag s2;
	_ =	strace s9  }
0x27: {  	s1 =	sld [smem:$0x3FAB]  }
0x28: {  	s2 =	sld [smem:$0x3FAC]  }
0x29: {  	s4 =	sld [smem:$0x3FAE]  }
0x2a: {  	p0 =	seq.s32 s5, $0x0;
	s5 =	sld [smem:$0x3FAF]  }
0x2b: {  	s6 =	sld [smem:$0x3FB0]  }
0x2c: {  	s7 =	sld [smem:$0x3FB1]  }
0x2d: {  	s3 =	simm.s32 $0x108;
	s8 =	sld [smem:$0x3FB2]  }
0x2e: {  	s3 =	simm.s32 @!p0 $0x1082;
	s9 =	sld [smem:$0x3FB3]  }
0x2f: {  	lr =	sadd.s32 s0, s3;
	s0 =	sld [smem:$0x3FAA]  }
0x30: {  	s3 =	sld [smem:$0x3FAD]  }
0x31: {  	[smem:$0x3FB6] =	sst s10  }
0x32: {  	s10 =	sld [smem:$0x3FB4];
	_ =	sdelay $0x3  }
0x33: {  	p0 =	seq.s32 s10, $0x1;
	s10 =	sld [smem:$0x3FB6];
	_ =	sdelay $0x3  }
0x34: {  	[smem:$0x3FB6] =	sst s10  }
0x35: {  	s10 =	sld [smem:$0x3FB5];
	_ =	sdelay $0x3  }
0x36: {  	p1 =	seq.s32 s10, $0x1;
	s10 =	sld [smem:$0x3FB6];
	_ =	sdelay $0x3  }
0x37: {  	[smem:$0x3FB6] =	sst s10  }
0x38: {  	s10 =	sld [smem:$0x3FB7]  }
0x39: {  	_ = 	snop;
	(pc) =	sbr.ind lr, $3  }
0x3a: {  	_ = 	snop  }
0x3b: {  	_ = 	snop  }
0x3c: {  	p2 =	seq.s32 s10, $0x1;
	s10 =	sld [smem:$0x3FB6]  }
0x3d: {  	_ =	shalt  }
0x3e: {  	_ =	shalt  }
0x3f: {  	_ =	shalt  }
0x40: {  	_ =	shalt  }
0x41: {  	_ =	shalt  }
0x42: {  	_ =	shalt  }
0x43: {  	_ =	shalt  }
0x44: {  	_ =	shalt  }
0x45: {  	_ =	shalt  }
0x46: {  	_ =	shalt  }
0x47: {  	_ =	shalt  }
0x48: {  	_ =	shalt  }
0x49: {  	_ =	shalt  }
0x4a: {  	_ =	shalt  }
0x4b: {  	_ =	shalt  }
0x4c: {  	_ =	shalt  }
0x4d: {  	_ =	shalt  }
0x4e: {  	_ =	shalt  }
0x4f: {  	_ =	shalt  }
0x50: {  	_ =	shalt  }
0x51: {  	_ =	shalt  }
0x52: {  	_ =	shalt  }
0x53: {  	_ =	shalt  }
0x54: {  	_ =	shalt  }
0x55: {  	_ =	shalt  }
0x56: {  	_ =	shalt  }
0x57: {  	_ =	shalt  }
0x58: {  	_ =	shalt  }
0x59: {  	_ =	shalt  }
0x5a: {  	_ =	shalt  }
0x5b: {  	_ =	shalt  }
0x5c: {  	_ =	shalt  }
0x5d: {  	_ =	shalt  }
0x5e: {  	_ =	shalt  }
0x5f: {  	_ =	shalt  }
0x60: {  	_ =	shalt  }
0x61: {  	_ =	shalt  }
0x62: {  	_ =	shalt  }
0x63: {  	_ =	shalt  }
0x64: {  	_ =	shalt  }
0x65: {  	_ =	shalt  }
0x66: {  	_ =	shalt  }
0x67: {  	_ =	shalt  }
0x68: {  	_ =	shalt  }
0x69: {  	_ =	shalt  }
0x6a: {  	_ =	shalt  }
0x6b: {  	_ =	shalt  }
0x6c: {  	_ =	shalt  }
0x6d: {  	_ =	shalt  }
0x6e: {  	_ =	shalt  }
0x6f: {  	_ =	shalt  }
0x70: {  	_ =	shalt  }
0x71: {  	_ =	shalt  }
0x72: {  	_ =	shalt  }
0x73: {  	_ =	shalt  }
0x74: {  	_ =	shalt  }
0x75: {  	_ =	shalt  }
0x76: {  	_ =	shalt  }
0x77: {  	_ =	shalt  }
0x78: {  	_ =	shalt  }
0x79: {  	_ =	shalt  }
0x7a: {  	_ =	shalt  }
0x7b: {  	_ =	shalt  }
0x7c: {  	_ =	shalt  }
0x7d: {  	_ =	shalt  }
0x7e: {  	_ =	shalt  }
0x7f: {  	_ =	shalt  }
0x80: {  	_ =	shalt  }
0x81: {  	_ =	shalt  }
0x82: {  	_ =	shalt  }
0x83: {  	_ =	shalt  }
0x84: {  	_ =	shalt  }
0x85: {  	_ =	shalt  }
0x86: {  	_ =	shalt  }
0x87: {  	_ =	shalt  }
.Lfunc_end0:
.L_simem_size_0:
called_computation.1_lowered:
.L_overlay_start_0:
0x88: {  	s2 =	sld [smem:$0x3FD9]  }
0x89: {  	s3 =	sld [smem:$0x3FFE];
	_ =	sdelay $0x1  }
0x8a: {  	s1 =	srdreg.scid  }
0x8b: {  	s0 =	sand.u32 $0x1, s1  }
0x8c: {  	s17 =	sshll.u32 s0, $0xA;
	s2 =	sadd.s32 s3, s2  }
0x8d: {  	s2 =	sadd.s32 s2, s17  }
0x8e: {  	[smem:$0x3FC2] =	sst s2  }
0x8f: {  	_ = 	snop  }
0x90: {  	s2 =	sld [smem:$0x3FD0];
	(tm) =	ssettm $0x1  }
0x91: {  	s18 =	sld [smem:$0x3FFB];
	_ =	sdelay $0x3  }
0x92: {  	_ =	strace s18  }
0x93: {  	s3 =	sld [smem:$0x3FFC];
	_ =	sdelay $0x3  }
0x94: {  	_ =	strace s3  }
0x95: {  	s3 =	sld [smem:$0x3FFD];
	_ =	sdelay $0x3  }
0x96: {  	_ =	strace s3  }
0x97: {  	_ =	strace $0x8FFFFFFF  }
0x98: {  	s19 =	sld [smem:$0x3FDB];
	_ =	sdelay $0x1  }
0x99: {  	s4 =	simm.s32 $_scs_section_size  }
0x9a: {  	s5 =	simm.s32 $_size__tile_overlayer_lowered;
	s6 =	simm.s32 $_tile_overlayer_lowered  }
0x9b: {  	s22 =	simm.s32 $0x1BFF;
	s21 =	sshll.u32 s6, $0x1;
	s3 =	sadd.s32 s4, s19  }
0x9c: {  	s7 =	simm.s32 $0x0;
	s20 =	sshll.u32 s5, $0x1;
	s5 =	sadd.s32 s21, s3  }
0x9d: {  	[timem:s7], [sflag:s22] =	dma.local [hbm:s5], s20  }
0x9e: {  	_ =	swait.ge [sflag:s22], s20  }
0x9f: {  	s4 =	ssub.s32 $0x0, s20;
	[sflag:s22] =	ssyncset.done $0x0  }
0xa0: {  	[sflag:s22] =	ssyncadd.s32 s4;
	_ =	sdelay $0x1  }
0xa1: {  	s23 =	simm.s32 $0x1B8B  }
0xa2: {  	_ =	swait.ge [sflag:s23], $0x1  }
0xa3: {  	[sflag:s23] =	ssyncset.done $0x0  }
0xa4: {  	s25 =	simm.s32 $0x1B8E;
	s24 =	sld [smem:$0x3FFE];
	[sflag:s23] =	ssyncadd.s32 $0xFFFFFFFF  }
0xa5: {  	s26 =	simm.s32 $execute0_lowered;
	[smem:$0x3FD2] =	sst s25  }
0xa6: {  	s5 =	sshll.u32 s26, $0x1;
	_ =	strace $0x80000049;
	[dreg:$0x1] =	wrdreg $0xFFFFFFFF  }
0xa7: {  	s28 =	simm.s32 $_size_execute0_lowered;
	s3 =	sadd.s32 s3, s5;
	[dreg:$0x0] =	wrdreg $0x0  }
0xa8: {  	s5 =	sshll.u32 s28, $0x1;
	[dreg:$0x2] =	wrdreg s3  }
0xa9: {  	[dreg:$0x3] =	wrdreg s5  }
0xaa: {  	[dreg:$0x4] =	wrdreg $0xC0  }
0xab: {  	_ =	task [dreg:s7], $0x5FFFF  }
0xac: {  	[dreg:$0x1] =	wrdreg $0xFFFFFFFF  }
0xad: {  	[dreg:$0x0] =	wrdreg $0x60  }
0xae: {  	[dreg:$0x2] =	wrdreg s2  }
0xaf: {  	[dreg:$0x3] =	wrdreg s24  }
0xb0: {  	[dreg:$0x4] =	wrdreg $0x0  }
0xb1: {  	[dreg:$0x5] =	wrdreg $0x9  }
0xb2: {  	_ =	task.clear_ibuf [dreg:s7], $0x6FFFF;
	_ =	strace $0x90000049  }
0xb3: {  	s29 =	simm.s32 $0x9;
	_ =	strace $0x8000004B  }
0xb4: {  	_ =	swait.ge [sflag:s29], $0x1  }
0xb5: {  	[sflag:s29] =	ssyncadd.s32 $0xFFFFFFFF  }
0xb6: {  	_ =	strace $0x9000004B  }
0xb7: {  	_ =	sfence  }
0xb8: {  	s30 =	sld [smem:$0x0];
	_ =	sdelay $0x2  }
0xb9: {  	s31 =	sshll.u32 s1, $0xD;
	s1 =	sshrl.u32 s1, $0x2  }
0xba: {  	s3 =	sand.u32 $0x4000, s31;
	s1 =	sadd.s32 s1, s30  }
0xbb: {  	s0 =	sor.u32 s3, s0;
	s1 =	sshll.u32 s1, $0x11  }
0xbc: {  	s0 =	sor.u32 s1, s0  }
0xbd: {  	s0 =	sadd.s32 $0x8F2B, s0  }
0xbe: {  	[sflag:s0] =	ssyncadd.remote.s32 $0x1  }
0xbf: {  	_ =	sfence.sel $0xFFFF  }
0xc0: {  	[dreg:$0x0] =	wrdreg $0xFFFFFFFF;
	(pc) =	sbr.abs _section_cstart, $3  }
0xc1: {  	[dreg:$0x1] =	wrdreg $0xFFFFFFFF  }
0xc2: {  	_ =	task.clear_ibuf [dreg:s7], $0x2FFFF;
	_ =	strace $0x9FFFFFFF  }
0xc3: {  	(tm) =	ssettm $0x7FFFFFFF  }
tec
execute0_lowered:
.L_overlay_start_1:
0x0: {  	(tag) =	ssettag $0x1  }
0x1: {  	s1 =	rddreg [dreg:$0x0]  }
0x2: {  	s0 =	srdreg.scid;
	s6 =	rddreg [dreg:$0x1]  }
0x3: {  	s3 =	rddreg [dreg:$0x2];
	s4 =	simm.s32 $0x0;
	s22 =	simm.s32 $0x16800  }
0x4: {  	s23 =	simm.s32 $0x80;
	s8 =	sand.u32 $0x1, s0;
	s0 =	stileid.u32  }
0x5: {  	s24 =	simm.s32 $0x1;
	s25 =	simm.s32 $0x0;
	s7 =	smul.u32 $0x50000, s0  }
0x6: {  	[smem:$0x7FF] =	sst s4;
	s17 =	sadd.s32 $0x16600, s6;
	s11 =	smul.u32 $0x14000, s0  }
0x7: {  	s2 =	sshll.u32 s8, $0x4;
	s9 =	ssub.s32 $0x2, s8;
	s16 =	smul.u32 $0x140000, s8  }
0x8: {  	s5 =	sor.u32 s0, s2;
	s2 =	rddreg [dreg:$0x3];
	_ =	strace $0x8000004A  }
0x9: {  	s29 =	sshrl.u32 s9, $0x1;
	s5 =	smul.u32 $0x500, s5;
	s7 =	sshrl.u32 s7, $0x2  }
0xa: {  	s18 =	ssub.s32 s9, s29;
	s13 =	sadd.s32 $0x4000, s11;
	s15 =	sadd.s32 $0x8000, s11  }
0xb: {  	s19 =	sadd.s32 $0xC000, s11;
	s20 =	sadd.s32 $0x10000, s11;
	s14 =	sadd.s32 s11, s16  }
0xc: {  	s8 =	sadd.s32 s15, s3;
	s9 =	sadd.s32 s19, s3;
	s10 =	sadd.s32 s20, s3  }
0xd: {  	s14 =	sshrl.u32 s14, $0x3;
	s21 =	sadd.s32 s16, s13;
	s15 =	sadd.s32 s16, s15  }
0xe: {  	s19 =	sadd.s32 s16, s19;
	s20 =	sadd.s32 s16, s20;
	s18 =	smax.u32 s18, $0x1  }
0xf: {  	s12 =	sadd.s32 s5, s6;
	s5 =	sadd.s32 $0x15E00, s6;
	s6 =	sadd.s32 s7, s3  }
0x10: {  	s7 =	sadd.s32 s13, s3;
	s13 =	sadd.s32 s17, s14;
	s30 =	sshrl.u32 s21, $0x3  }
0x11: {  	s15 =	sshrl.u32 s15, $0x3;
	s19 =	sshrl.u32 s19, $0x3;
	s31 =	sshrl.u32 s20, $0x3  }
0x12: {  	s20 =	simm.s32 $0x2;
	s21 =	simm.s32 $0x14000;
	s11 =	sadd.s32 $0x1E00, s12  }
0x13: {  	s12 =	sadd.s32 $0xBE00, s12;
	s14 =	sadd.s32 s17, s30;
	s15 =	sadd.s32 s17, s15  }
0x14: {  	s16 =	sadd.s32 s17, s19;
	s17 =	sadd.s32 s17, s31;
	s19 =	simm.s32 $0x19000  }
.LBB2_1:
0x15: {  	[tilespmem:s19], [sflag:$0x2] =	stream.linear.gather [hbm4b:s5+s4], $0x4000, $0x38;
	[tilespmem:$0x1D000] =	vst v63  }
0x16: {  	_ =	swait.ge [sflag:s20], $0x4000  }
0x17: {  	[sflag:s20] =	ssyncset.done $0x0  }
0x18: {  	[sflag:s20] =	ssyncadd.s32 $0xFFFFC000  }
0x19: {  	[spmem:s6] =	stream.linear.scatter [tilespmem:s19], [sflag:$0x2], $0x4000, $0x38;
	[tilespmem:$0x1D000] =	vst v63  }
0x1a: {  	_ =	swait.ge [sflag:s20], $0x4000  }
0x1b: {  	[sflag:s20] =	ssyncset.done $0x0  }
0x1c: {  	[sflag:s20] =	ssyncadd.s32 $0xFFFFC000  }
0x1d: {  	[spmem:s7] =	stream.linear.scatter [tilespmem:s19], [sflag:$0x2], $0x4000, $0x38;
	[tilespmem:$0x1D000] =	vst v63  }
0x1e: {  	_ =	swait.ge [sflag:s20], $0x4000  }
0x1f: {  	[sflag:s20] =	ssyncset.done $0x0  }
0x20: {  	[sflag:s20] =	ssyncadd.s32 $0xFFFFC000  }
0x21: {  	[spmem:s8] =	stream.linear.scatter [tilespmem:s19], [sflag:$0x2], $0x4000, $0x38;
	[tilespmem:$0x1D000] =	vst v63  }
0x22: {  	_ =	swait.ge [sflag:s20], $0x4000  }
0x23: {  	[sflag:s20] =	ssyncset.done $0x0  }
0x24: {  	[sflag:s20] =	ssyncadd.s32 $0xFFFFC000  }
0x25: {  	[spmem:s9] =	stream.linear.scatter [tilespmem:s19], [sflag:$0x2], $0x4000, $0x38;
	[tilespmem:$0x1D000] =	vst v63  }
0x26: {  	_ =	swait.ge [sflag:s20], $0x4000  }
0x27: {  	[sflag:s20] =	ssyncset.done $0x0  }
0x28: {  	[sflag:s20] =	ssyncadd.s32 $0xFFFFC000  }
0x29: {  	[spmem:s10] =	stream.linear.scatter [tilespmem:s19], [sflag:$0x2], $0x4000, $0x38;
	[tilespmem:$0x1D000] =	vst v63  }
0x2a: {  	_ =	swait.ge [sflag:s20], $0x4000  }
0x2b: {  	[sflag:s20] =	ssyncset.done $0x0  }
0x2c: {  	[sflag:s20] =	ssyncadd.s32 $0xFFFFC000  }
0x2d: {  	[tilespmem:s21], [sflag:$0x2] =	stream.linear.gather [hbm4b:s11+s4], $0x2800, $0x38;
	[tilespmem:$0x1D000] =	vst v63  }
0x2e: {  	_ =	swait.ge [sflag:s20], $0x2800  }
0x2f: {  	[sflag:s20] =	ssyncset.done $0x0  }
0x30: {  	[sflag:s20] =	ssyncadd.s32 $0xFFFFD800  }
0x31: {  	[tilespmem:s22], [sflag:$0x2] =	stream.linear.gather [hbm4b:s12+s4], $0x2800, $0x38;
	[tilespmem:$0x1D000] =	vst v63  }
0x32: {  	_ =	swait.ge [sflag:s20], $0x2800  }
0x33: {  	[sflag:s20] =	ssyncset.done $0x0  }
0x34: {  	[sflag:s20] =	ssyncadd.s32 $0xFFFFD800  }
0x35: {  	s26 =	simm.s32 $0x14000;
	[bflag:$0x0] =	sbarrier.arrive $0xFFFF  }
0x36: {  	[tilespmem:s19], [sflag:$0x1] =	stream.indirect.gather [hbm4b:s1+s23], $0x80, s26, s23, $0xb8;
	[tilespmem:$0x1D000] =	vst v63  }
0x37: {  	_ =	swait.ge [sflag:s24], $0x4000  }
0x38: {  	[sflag:s24] =	ssyncset.done $0x0  }
0x39: {  	s31 =	simm.s32 $0x16800;
	[sflag:s24] =	ssyncadd.s32 $0xFFFFC000  }
0x3a: {  	[spmem:s3] =	stream.indirect.scatter.add.f32 [tilespmem:s19], [sflag:$0x2], $0x80, s31, s23, $0xb8;
	[tilespmem:$0x1D000] =	vst v63  }
0x3b: {  	_ =	swait.ge [sflag:s20], $0x4000  }
0x3c: {  	s28 =	simm.s32 $0x400;
	s26 =	simm.s32 $0x80;
	[sflag:s20] =	ssyncset.done $0x0  }
.LBB2_2:
0x3d: {  	s29 =	sadd.s32 $0x14000, s26  }
0x3e: {  	[sflag:s20] =	ssyncadd.s32 $0xFFFFC000;
	s30 =	smov.u32 s28;
	s31 =	sadd.s32 $0x200, s28  }
0x3f: {  	[tilespmem:s19], [sflag:$0x1] =	stream.indirect.gather [hbm4b:s1+s23], $0x80, s29, s23, $0xb8;
	[tilespmem:$0x1D000] =	vst v63  }
0x40: {  	p0 =	sne.s32 s28, $0x9E00;
	_ =	swait.ge [sflag:s24], $0x4000  }
.Ltmp0:
0x41: {  	[sflag:s24] =	ssyncset.done $0x0;
	(pc) =	sbr.rel @p0 .LBB2_2-.Ltmp0, $4  }
0x42: {  	s26 =	sadd.s32 $0x16800, s26;
	[sflag:s24] =	ssyncadd.s32 $0xFFFFC000  }
0x43: {  	[spmem:s3] =	stream.indirect.scatter.add.f32 [tilespmem:s19], [sflag:$0x2], $0x80, s26, s23, $0xb8;
	[tilespmem:$0x1D000] =	vst v63  }
0x44: {  	_ =	swait.ge [sflag:s20], $0x4000  }
0x45: {  	s28 =	smov.u32 s31;
	s26 =	sshra.s32 s30, $0x2;
	[sflag:s20] =	ssyncset.done $0x0  }
0x46: {  	s28 =	sadd.s32 $0x14000, s26;
	[sflag:s20] =	ssyncadd.s32 $0xFFFFC000  }
0x47: {  	[tilespmem:s19], [sflag:$0x1] =	stream.indirect.gather [hbm4b:s1+s23], $0x80, s28, s23, $0xb8;
	[tilespmem:$0x1D000] =	vst v63  }
0x48: {  	_ =	swait.ge [sflag:s24], $0x4000  }
0x49: {  	[sflag:s24] =	ssyncset.done $0x0  }
0x4a: {  	s31 =	sadd.s32 $0x16800, s26;
	[sflag:s24] =	ssyncadd.s32 $0xFFFFC000  }
0x4b: {  	[spmem:s3] =	stream.indirect.scatter.add.f32 [tilespmem:s19], [sflag:$0x2], $0x80, s31, s23, $0xb8;
	[tilespmem:$0x1D000] =	vst v63  }
0x4c: {  	_ =	swait.ge [sflag:s20], $0x4000  }
0x4d: {  	[sflag:s20] =	ssyncset.done $0x0  }
0x4e: {  	[sflag:s20] =	ssyncadd.s32 $0xFFFFC000  }
0x4f: {  	[bflag:$0x0] =	sbarrier.arrive $0xFFFF  }
0x50: {  	[tilespmem:s19], [sflag:$0x2] =	stream.linear.gather [spmem:s6], $0x4000, $0x38;
	[tilespmem:$0x1D000] =	vst v63  }
0x51: {  	_ =	swait.ge [sflag:s20], $0x4000  }
0x52: {  	[sflag:s20] =	ssyncset.done $0x0  }
0x53: {  	[sflag:s20] =	ssyncadd.s32 $0xFFFFC000  }
0x54: {  	[hbm4b:s13+s4] =	stream.linear.scatter [tilespmem:s19], [sflag:$0x2], $0x4000, $0x38;
	[tilespmem:$0x1D000] =	vst v63  }
0x55: {  	_ =	swait.ge [sflag:s20], $0x4000  }
0x56: {  	[sflag:s20] =	ssyncset.done $0x0  }
0x57: {  	[sflag:s20] =	ssyncadd.s32 $0xFFFFC000  }
0x58: {  	[tilespmem:s19], [sflag:$0x2] =	stream.linear.gather [spmem:s7], $0x4000, $0x38;
	[tilespmem:$0x1D000] =	vst v63  }
0x59: {  	_ =	swait.ge [sflag:s20], $0x4000  }
0x5a: {  	[sflag:s20] =	ssyncset.done $0x0  }
0x5b: {  	[sflag:s20] =	ssyncadd.s32 $0xFFFFC000  }
0x5c: {  	[hbm4b:s14+s4] =	stream.linear.scatter [tilespmem:s19], [sflag:$0x2], $0x4000, $0x38;
	[tilespmem:$0x1D000] =	vst v63  }
0x5d: {  	_ =	swait.ge [sflag:s20], $0x4000  }
0x5e: {  	[sflag:s20] =	ssyncset.done $0x0  }
0x5f: {  	[sflag:s20] =	ssyncadd.s32 $0xFFFFC000  }
0x60: {  	[tilespmem:s19], [sflag:$0x2] =	stream.linear.gather [spmem:s8], $0x4000, $0x38;
	[tilespmem:$0x1D000] =	vst v63  }
0x61: {  	_ =	swait.ge [sflag:s20], $0x4000  }
0x62: {  	[sflag:s20] =	ssyncset.done $0x0  }
0x63: {  	[sflag:s20] =	ssyncadd.s32 $0xFFFFC000  }
0x64: {  	[hbm4b:s15+s4] =	stream.linear.scatter [tilespmem:s19], [sflag:$0x2], $0x4000, $0x38;
	[tilespmem:$0x1D000] =	vst v63  }
0x65: {  	_ =	swait.ge [sflag:s20], $0x4000  }
0x66: {  	[sflag:s20] =	ssyncset.done $0x0  }
0x67: {  	[sflag:s20] =	ssyncadd.s32 $0xFFFFC000  }
0x68: {  	[tilespmem:s19], [sflag:$0x2] =	stream.linear.gather [spmem:s9], $0x4000, $0x38;
	[tilespmem:$0x1D000] =	vst v63  }
0x69: {  	_ =	swait.ge [sflag:s20], $0x4000  }
0x6a: {  	[sflag:s20] =	ssyncset.done $0x0  }
0x6b: {  	[sflag:s20] =	ssyncadd.s32 $0xFFFFC000  }
0x6c: {  	[hbm4b:s16+s4] =	stream.linear.scatter [tilespmem:s19], [sflag:$0x2], $0x4000, $0x38;
	[tilespmem:$0x1D000] =	vst v63  }
0x6d: {  	_ =	swait.ge [sflag:s20], $0x4000  }
0x6e: {  	[sflag:s20] =	ssyncset.done $0x0  }
0x6f: {  	[sflag:s20] =	ssyncadd.s32 $0xFFFFC000  }
0x70: {  	[tilespmem:s19], [sflag:$0x2] =	stream.linear.gather [spmem:s10], $0x4000, $0x38;
	[tilespmem:$0x1D000] =	vst v63  }
0x71: {  	s25 =	sadd.s32 $0x1, s25;
	_ =	swait.ge [sflag:s20], $0x4000  }
0x72: {  	p0 =	sne.s32 s25, s18;
	[sflag:s20] =	ssyncset.done $0x0  }
.Ltmp1:
0x73: {  	[sflag:s20] =	ssyncadd.s32 $0xFFFFC000;
	(pc) =	sbr.rel @p0 .LBB2_1-.Ltmp1, $4  }
0x74: {  	[hbm4b:s17+s4] =	stream.linear.scatter [tilespmem:s19], [sflag:$0x2], $0x4000, $0x38;
	[tilespmem:$0x1D000] =	vst v63  }
0x75: {  	_ =	swait.ge [sflag:s20], $0x4000  }
0x76: {  	[sflag:s20] =	ssyncset.done $0x0  }
0x77: {  	[sflag:s20] =	ssyncadd.s32 $0xFFFFC000  }
0x78: {  	_ =	sfence.sel $0x180000  }
0x79: {  	[bflag:$0x0] =	sbarrier.arrive $0xFFFF  }
0x7a: {  	p0 =	sne.s32 s0, $0x0;
	_ =	strace $0x9000004A  }
0x7b: {  	s0 =	sadd.s32 @!p0 $0x100000, s2;
	[bflag:$0x2] =	sbarrier.arrive $0xFFFF  }
0x7c: {  	[sflag:s0] =	ssyncadd.tile.s32 @!p0 $0x1;
	_ =	shalt  }
.Lfunc_end2:
_tile_overlayer_lowered:
.L_overlay_start_2:
0x7d: {  	(tag) =	ssettag $0x2  }
0x7e: {  	s0 =	rddreg [dreg:$0x0];
	s2 =	stileid.u32  }
0x7f: {  	s1 =	rddreg [dreg:$0x1];
	p0 =	sne.s32 s2, $0x0  }
0x80: {  	s3 =	rddreg [dreg:$0x2];
	[bflag:$0x3] =	sbarrier.arrive $0xFFFF;
	s2 =	simm.s32 @!p0 $0x1C02  }
0x81: {  	[timem:s3], [sflag:s2] =	dma.local @!p0 [hbm:s0], s1  }
0x82: {  	s0 =	simm.s32 @!p0 $0x2  }
0x83: {  	_ =	swait.ge @!p0 [sflag:s0], s1  }
0x84: {  	s1 =	ssub.s32 @!p0 $0x0, s1;
	[sflag:s0] =	ssyncset.done @!p0 $0x0  }
0x85: {  	[sflag:s0] =	ssyncadd.s32 @!p0 s1  }
0x86: {  	[bflag:$0x3] =	sbarrier.arrive $0xFFFF  }
0x87: {  	_ =	shalt  }

</sc_bundles>
